<compile_context>
chip_gen: v7x
topology: tpu7x:2x2x1
jax: 0.10.2.dev20260603
libtpu: 0.0.44.dev20260713+nightly
codegen_flags: <defaults>
</compile_context>

<pallas_src>
import functools

import jax
import jax.numpy as jnp
from jax import lax
from jax.experimental import pallas as pl
from jax.experimental.pallas import tpu as pltpu
from jax.experimental.pallas import tpu_sc as plsc

NB = 8192
G = 4
GD = 64
C = G * GD
BETA = 0.25

BKS = 2048
KB = NB // BKS

NW = 32
IDX_CHUNK = 128



def _argmin_body(c_ref, x_ref, oi_ref, lhs_s):
    g = pl.program_id(0)
    n = pl.program_id(1)
    xt = x_ref[0]

    t_len = xt.shape[1]

    @pl.when(n == 0)
    def _():
        cb = c_ref[0]
        csq = jnp.sum(cb * cb, axis=1, keepdims=True)
        h = csq.astype(jnp.bfloat16).astype(jnp.float32)
        r = csq - h
        m = r.astype(jnp.bfloat16).astype(jnp.float32)
        tail = jnp.concatenate(
            [h, m, r - m, jnp.zeros((NB, 5), jnp.float32)], axis=1)
        lhs_s[:, :GD] = -2.0 * cb
        lhs_s[:, GD:] = tail

    rhs = jnp.concatenate(
        [xt, jnp.ones((3, t_len), jnp.float32),
         jnp.zeros((5, t_len), jnp.float32)], axis=0)
    score = jnp.dot(lhs_s[...], rhs, preferred_element_type=jnp.float32,
                    precision=lax.Precision.DEFAULT)
    oi_ref[0] = jnp.argmin(score, axis=0).astype(jnp.int32)[None, :] + g * NB


def _run_argmin(x, codebooks):
    nbatch, _, t_len = x.shape
    return pl.pallas_call(
        _argmin_body,
        grid=(G, nbatch),
        in_specs=[
            pl.BlockSpec((1, NB, GD), lambda g, n: (g, 0, 0)),
            pl.BlockSpec((1, GD, t_len), lambda g, n: (n, g, 0)),
        ],
        out_specs=[
            pl.BlockSpec((1, 1, t_len), lambda g, n: (g * nbatch + n, 0, 0)),
        ],
        out_shape=[
            jax.ShapeDtypeStruct((G * nbatch, 1, t_len), jnp.int32),
        ],
        scratch_shapes=[
            pltpu.VMEM((NB, GD + 8), jnp.float32),
        ],
    )(codebooks, x)



def _make_sc_gather_hist(n_rows):
    rows_per_w = n_rows // NW
    n_chunks = rows_per_w // IDX_CHUNK
    hist_rows_per_tile = (G * NB) // 16
    mesh = plsc.VectorSubcoreMesh(core_axis_name="c", subcore_axis_name="s",
                                  num_cores=2, num_subcores=16)

    @functools.partial(
        pl.kernel,
        out_type=(
            jax.ShapeDtypeStruct((n_rows, GD), jnp.float32),
            jax.ShapeDtypeStruct((2, G * NB, 16), jnp.float32),
        ),
        mesh=mesh,
        scratch_types=[
            pltpu.VMEM((n_chunks, IDX_CHUNK), jnp.int32),
            pltpu.VMEM((rows_per_w, GD), jnp.float32),
            pltpu.VMEM((IDX_CHUNK, 16), jnp.float32),
            pltpu.VMEM_SHARED((G * NB, 16), jnp.float32),
            pltpu.SemaphoreType.DMA,
        ],
        compiler_params=pltpu.CompilerParams(use_tc_tiling_on_sc=False),
    )
    def sc_kernel(idx_hbm, table_hbm, zeros_hbm, ones_hbm, xq_hbm, hist_hbm,
                  idx_v, rows_v, ones_v, hist_sh, sem):
        cid = lax.axis_index("c")
        sid = lax.axis_index("s")
        wid = sid * 2 + cid
        pltpu.sync_copy(idx_hbm.at[wid], idx_v)
        pltpu.sync_copy(ones_hbm, ones_v)
        pltpu.sync_copy(zeros_hbm,
                        hist_sh.at[pl.ds(sid * hist_rows_per_tile,
                                         hist_rows_per_tile)])
        plsc.subcore_barrier()
        copies = [
            pltpu.async_copy(table_hbm.at[idx_v.at[j]],
                             rows_v.at[pl.ds(j * IDX_CHUNK, IDX_CHUNK)], sem)
            for j in range(n_chunks)
        ]
        for j in range(n_chunks):
            pltpu.sync_copy(ones_v, hist_sh.at[idx_v.at[j]], add=True)
        for cp in copies:
            cp.wait()
        pltpu.sync_copy(rows_v, xq_hbm.at[pl.ds(wid * rows_per_w, rows_per_w)])
        plsc.subcore_barrier()
        pltpu.sync_copy(
            hist_sh.at[pl.ds(sid * hist_rows_per_tile, hist_rows_per_tile)],
            hist_hbm.at[cid, pl.ds(sid * hist_rows_per_tile,
                                   hist_rows_per_tile)])

    return sc_kernel



def _finish_body(m_total, nbatch, x_ref, q_ref, h_ref, loss_ref, perp_ref, acc):
    i = pl.program_id(0)

    @pl.when(i == 0)
    def _():
        acc[0] = 0.0

    d = x_ref[...] - q_ref[...]
    acc[0] += jnp.sum(d * d)

    @pl.when(i == nbatch - 1)
    def _():
        loss_ref[...] = jnp.broadcast_to(
            acc[0] * ((1.0 + BETA) / (m_total * C)), (1, 1))
        counts = h_ref[0] + h_ref[1]
        probs = counts * (1.0 / m_total)
        ent = -jnp.sum(probs * jnp.log(probs + 1e-10), axis=(1, 2))
        perp_ref[...] = jnp.broadcast_to(jnp.mean(jnp.exp(ent)), (1, 1))


def _run_finish(x, x_q_out, hist, m_total):
    nbatch, c_len, t_len = x.shape
    return pl.pallas_call(
        functools.partial(_finish_body, m_total, nbatch),
        grid=(nbatch,),
        in_specs=[
            pl.BlockSpec((1, c_len, t_len), lambda i: (i, 0, 0)),
            pl.BlockSpec((1, c_len, t_len), lambda i: (i, 0, 0)),
            pl.BlockSpec((2, G, 64, 128), lambda i: (0, 0, 0, 0)),
        ],
        out_specs=[
            pl.BlockSpec((1, 1), lambda i: (0, 0)),
            pl.BlockSpec((1, 1), lambda i: (0, 0)),
        ],
        out_shape=[
            jax.ShapeDtypeStruct((1, 1), jnp.float32),
            jax.ShapeDtypeStruct((1, 1), jnp.float32),
        ],
        scratch_shapes=[pltpu.SMEM((1,), jnp.float32)],
    )(x, x_q_out, hist)



def kernel(x, codebooks):
    n, c, t = x.shape
    m_total = n * t

    idx3, = _run_argmin(x, codebooks)
    n_rows = G * m_total
    idx_sc = idx3.reshape(NW, n_rows // (NW * IDX_CHUNK), IDX_CHUNK)

    table = codebooks.reshape(G * NB, GD)
    zeros = jnp.zeros(((G * NB) // 16, 16), jnp.float32)
    ones = jnp.ones((IDX_CHUNK, 16), jnp.float32)
    xq_rows, hist = _make_sc_gather_hist(n_rows)(idx_sc, table, zeros, ones)

    x_q_out = jnp.transpose(xq_rows.reshape(G, n, t, GD), (1, 0, 3, 2))
    x_q_out = x_q_out.reshape(n, c, t)

    h = hist[:, :, 0].reshape(2, G, 64, 128)
    loss2, perp2 = _run_finish(x, x_q_out, h, m_total)
    return (x_q_out, loss2[0, 0], perp2[0, 0])

# --- scband reference (transcript-rebuilt; emitter-appended) ---
"""Pipeline reference for scband-product-quantizer-22213570855029 (READ-ONLY COPY).

The authoritative reference and input builder live on the scoring server;
editing this copy changes nothing except your own understanding.
"""

import jax, jax.numpy as jnp
import numpy as np

NB_CODE = 8192
CODE_DIM = 256
NUM_GROUPS = 4
GROUP_DIM = CODE_DIM // NUM_GROUPS
BETA = 0.25


def setup_inputs(seed: int = 0) -> dict:
    key = jax.random.key(seed)
    k1, k2 = jax.random.split(key)
    x = jax.random.normal(k1, (16, CODE_DIM, 576), dtype=jnp.float32)
    codebooks = jax.random.normal(k2, (NUM_GROUPS, NB_CODE, GROUP_DIM), dtype=jnp.float32)
    return {"x": x, "codebooks": codebooks}


def reference(x, codebooks):
    # eval-mode forward of ProductQuantizer (training=False, codebooks pretrained)
    N, C, T = x.shape
    x_flat = jnp.transpose(x, (0, 2, 1)).reshape(-1, C)  # [N*T, C]
    x_groups = x_flat.reshape(-1, NUM_GROUPS, GROUP_DIM)  # [M, G, gd]
    # quantize: per-group squared L2 distance to codebook
    x_sq = jnp.sum(x_groups ** 2, axis=-1, keepdims=True)  # [M, G, 1]
    cross = jnp.einsum('mgd,gkd->mgk', x_groups, codebooks)  # [M, G, K]
    c_sq = jnp.sum(codebooks ** 2, axis=-1)  # [G, K]
    distance = x_sq - 2.0 * cross + c_sq[None, :, :]  # [M, G, K]
    code_idx = jnp.argmin(distance, axis=-1)  # [M, G]
    # dequantize: gather per-group codes and concat
    g_idx = jnp.arange(NUM_GROUPS)[None, :]
    x_q_groups = codebooks[g_idx, code_idx]  # [M, G, gd]
    x_q = x_q_groups.reshape(-1, C)  # [M, C]
    # perplexity (eval path)
    one_hot = jax.nn.one_hot(code_idx, NB_CODE, dtype=jnp.float32)  # [M, G, K]
    probs = one_hot.mean(axis=0)  # [G, K]
    perp = jnp.exp(-jnp.sum(probs * jnp.log(probs + 1e-10), axis=-1))  # [G]
    perplexity = perp.mean()
    # commitment losses with stop-gradient semantics
    loss = jnp.mean((x_q - jax.lax.stop_gradient(x_flat)) ** 2)
    loss = loss + BETA * jnp.mean((jax.lax.stop_gradient(x_q) - x_flat) ** 2)
    # straight-through estimator
    x_q_st = x_flat + jax.lax.stop_gradient(x_q - x_flat)
    x_q_out = jnp.transpose(x_q_st.reshape(N, T, C), (0, 2, 1))
    return (x_q_out, loss, perplexity)

if __name__ == "__main__":
    import jax
    _d = setup_inputs()
    print(jax.jit(kernel)(*tuple(_d.values())))

</pallas_src>

<mosaic_0001>
#map = affine_map<(d0, d1) -> (0, 0, 0)>
#map1 = affine_map<(d0, d1) -> (0, 0)>
module attributes {stable_mosaic.version = 14 : i64} {
  func.func @sc_kernel(%arg0: i32, %arg1: i32, %arg2: memref<32x9x128xi32, #tpu.memory_space<hbm>>, %arg3: memref<32768x64xf32, #tpu.memory_space<hbm>>, %arg4: memref<2048x16xf32, #tpu.memory_space<hbm>>, %arg5: memref<128x16xf32, #tpu.memory_space<hbm>>, %arg6: memref<36864x64xf32, #tpu.memory_space<hbm>>, %arg7: memref<2x32768x16xf32, #tpu.memory_space<hbm>>, %arg8: memref<9x128xi32, #tpu.memory_space<vmem>>, %arg9: memref<1152x64xf32, #tpu.memory_space<vmem>>, %arg10: memref<128x16xf32, #tpu.memory_space<vmem>>, %arg11: memref<32768x16xf32, #tpu.memory_space<vmem_shared>>, %arg12: memref<!tpu.dma_semaphore, #tpu.memory_space<semaphore_mem>>) attributes {dimension_semantics = [#tpu.dimension_semantics<core_parallel>, #tpu.dimension_semantics<subcore_parallel>], iteration_bounds = array<i64: 2, 16>, scalar_prefetch = 0 : i64, scratch_operands = 5 : i64, tpu.core_type = #tpu.core_type<sc_vector_subcore>, window_params = [{transform_indices = #map}, {transform_indices = #map1}, {transform_indices = #map1}, {transform_indices = #map1}, {transform_indices = #map1}, {transform_indices = #map}]} {
    %mul3A = arith.constant 2 : i32
    %mul3A_0 = arith.muli %arg1, %mul3A : i32
    %add3A = arith.addi %mul3A_0, %arg0 : i32
    "tpu.region"() ({
      %run_scoped3A_196 = tpu.sem_alloc : memref<!tpu.dma_semaphore, #tpu.memory_space<semaphore_mem>>
      %dma_start3A_197 = arith.constant 0 : i32
      %dma_start3A_198 = arith.constant 0 : i32
      %dma_start3A_199 = tpu.memref_slice %arg2[%add3A, %dma_start3A_197, %dma_start3A_198] : memref<32x9x128xi32, #tpu.memory_space<hbm>> -> memref<1x9x128xi32, #tpu.memory_space<hbm>>
      %dma_start3A_200 = tpu.memref_squeeze %dma_start3A_199 : memref<1x9x128xi32, #tpu.memory_space<hbm>> -> memref<9x128xi32, #tpu.memory_space<hbm>>
      %dma_start3A_201 = arith.constant 0 : i32
      %dma_start3A_202 = arith.constant 0 : i32
      %dma_start3A_203 = tpu.memref_slice %arg2[%add3A, %dma_start3A_201, %dma_start3A_202] : memref<32x9x128xi32, #tpu.memory_space<hbm>> -> memref<1x9x128xi32, #tpu.memory_space<hbm>>
      %dma_start3A_204 = tpu.memref_squeeze %dma_start3A_203 : memref<1x9x128xi32, #tpu.memory_space<hbm>> -> memref<9x128xi32, #tpu.memory_space<hbm>>
      tpu.enqueue_dma source(%dma_start3A_204 : memref<9x128xi32, #tpu.memory_space<hbm>>) target(%arg8 : memref<9x128xi32, #tpu.memory_space<vmem>>) target_semaphore(%run_scoped3A_196 : memref<!tpu.dma_semaphore, #tpu.memory_space<semaphore_mem>>)
      %dma_wait3A_205 = arith.constant 0 : i32
      %dma_wait3A_206 = arith.constant 0 : i32
      %dma_wait3A_207 = tpu.memref_slice %arg2[%add3A, %dma_wait3A_205, %dma_wait3A_206] : memref<32x9x128xi32, #tpu.memory_space<hbm>> -> memref<1x9x128xi32, #tpu.memory_space<hbm>>
      %dma_wait3A_208 = tpu.memref_squeeze %dma_wait3A_207 : memref<1x9x128xi32, #tpu.memory_space<hbm>> -> memref<9x128xi32, #tpu.memory_space<hbm>>
      %dma_wait3A_209 = arith.constant 0 : i32
      %dma_wait3A_210 = arith.constant 0 : i32
      %dma_wait3A_211 = tpu.memref_slice %arg2[%add3A, %dma_wait3A_209, %dma_wait3A_210] : memref<32x9x128xi32, #tpu.memory_space<hbm>> -> memref<1x9x128xi32, #tpu.memory_space<hbm>>
      %dma_wait3A_212 = tpu.memref_squeeze %dma_wait3A_211 : memref<1x9x128xi32, #tpu.memory_space<hbm>> -> memref<9x128xi32, #tpu.memory_space<hbm>>
      tpu.wait_dma2 semaphore(%run_scoped3A_196 : memref<!tpu.dma_semaphore, #tpu.memory_space<semaphore_mem>>) src(%dma_wait3A_212 : memref<9x128xi32, #tpu.memory_space<hbm>>) dst(%arg8 : memref<9x128xi32, #tpu.memory_space<vmem>>)
      tpu.yield
    }) : () -> ()
    "tpu.region"() ({
      %run_scoped3A_196 = tpu.sem_alloc : memref<!tpu.dma_semaphore, #tpu.memory_space<semaphore_mem>>
      tpu.enqueue_dma source(%arg5 : memref<128x16xf32, #tpu.memory_space<hbm>>) target(%arg10 : memref<128x16xf32, #tpu.memory_space<vmem>>) target_semaphore(%run_scoped3A_196 : memref<!tpu.dma_semaphore, #tpu.memory_space<semaphore_mem>>)
      tpu.wait_dma2 semaphore(%run_scoped3A_196 : memref<!tpu.dma_semaphore, #tpu.memory_space<semaphore_mem>>) src(%arg5 : memref<128x16xf32, #tpu.memory_space<hbm>>) dst(%arg10 : memref<128x16xf32, #tpu.memory_space<vmem>>)
      tpu.yield
    }) : () -> ()
    %mul3A_1 = arith.constant 2048 : i32
    %mul3A_2 = arith.muli %arg1, %mul3A_1 : i32
    "tpu.region"() ({
      %run_scoped3A_196 = tpu.sem_alloc : memref<!tpu.dma_semaphore, #tpu.memory_space<semaphore_mem>>
      %dma_start3A_197 = arith.constant 0 : i32
      %dma_start3A_198 = tpu.memref_slice %arg11[%mul3A_2, %dma_start3A_197] : memref<32768x16xf32, #tpu.memory_space<vmem_shared>> -> memref<2048x16xf32, #tpu.memory_space<vmem_shared>>
      tpu.enqueue_dma source(%arg4 : memref<2048x16xf32, #tpu.memory_space<hbm>>) target(%dma_start3A_198 : memref<2048x16xf32, #tpu.memory_space<vmem_shared>>) target_semaphore(%run_scoped3A_196 : memref<!tpu.dma_semaphore, #tpu.memory_space<semaphore_mem>>)
      %dma_wait3A_199 = arith.constant 0 : i32
      %dma_wait3A_200 = tpu.memref_slice %arg11[%mul3A_2, %dma_wait3A_199] : memref<32768x16xf32, #tpu.memory_space<vmem_shared>> -> memref<2048x16xf32, #tpu.memory_space<vmem_shared>>
      tpu.wait_dma2 semaphore(%run_scoped3A_196 : memref<!tpu.dma_semaphore, #tpu.memory_space<semaphore_mem>>) src(%arg4 : memref<2048x16xf32, #tpu.memory_space<hbm>>) dst(%dma_wait3A_200 : memref<2048x16xf32, #tpu.memory_space<vmem_shared>>)
      tpu.yield
    }) : () -> ()
    %barrier3A = arith.constant 0 : index
    tpu.barrier barrier_id(%barrier3A)
    %dma_start3A = arith.constant 0 : i32
    %dma_start3A_3 = arith.constant 0 : i32
    %dma_start3A_4 = arith.constant 0 : i32
    %dma_start3A_5 = tpu.memref_slice %arg9[%dma_start3A_3, %dma_start3A_4] : memref<1152x64xf32, #tpu.memory_space<vmem>> -> memref<128x64xf32, #tpu.memory_space<vmem>>
    %dma_start3A_6 = arith.constant 0 : i32
    %dma_start3A_7 = tpu.memref_slice %arg8[%dma_start3A, %dma_start3A_6] : memref<9x128xi32, #tpu.memory_space<vmem>> -> memref<1x128xi32, #tpu.memory_space<vmem>>
    %dma_start3A_8 = tpu.memref_squeeze %dma_start3A_7 : memref<1x128xi32, #tpu.memory_space<vmem>> -> memref<128xi32, #tpu.memory_space<vmem>>
    %dma_start3A_9 = arith.constant 0 : i32
    %dma_start3A_10 = arith.constant 0 : i32
    %dma_start3A_11 = tpu.memref_slice %arg3[%dma_start3A_9, %dma_start3A_10] : memref<32768x64xf32, #tpu.memory_space<hbm>> -> memref<32768x64xf32, #tpu.memory_space<hbm>>
    tpu.enqueue_indirect_dma source(%dma_start3A_11 : memref<32768x64xf32, #tpu.memory_space<hbm>>) target(%dma_start3A_5 : memref<128x64xf32, #tpu.memory_space<vmem>>) offsets(%dma_start3A_8 : memref<128xi32, #tpu.memory_space<vmem>>) semaphore(%arg12 : memref<!tpu.dma_semaphore, #tpu.memory_space<semaphore_mem>>)
    %dma_start3A_12 = arith.constant 1 : i32
    %dma_start3A_13 = arith.constant 128 : i32
    %dma_start3A_14 = arith.constant 0 : i32
    %dma_start3A_15 = tpu.memref_slice %arg9[%dma_start3A_13, %dma_start3A_14] : memref<1152x64xf32, #tpu.memory_space<vmem>> -> memref<128x64xf32, #tpu.memory_space<vmem>>
    %dma_start3A_16 = arith.constant 0 : i32
    %dma_start3A_17 = tpu.memref_slice %arg8[%dma_start3A_12, %dma_start3A_16] : memref<9x128xi32, #tpu.memory_space<vmem>> -> memref<1x128xi32, #tpu.memory_space<vmem>>
    %dma_start3A_18 = tpu.memref_squeeze %dma_start3A_17 : memref<1x128xi32, #tpu.memory_space<vmem>> -> memref<128xi32, #tpu.memory_space<vmem>>
    %dma_start3A_19 = arith.constant 0 : i32
    %dma_start3A_20 = arith.constant 0 : i32
    %dma_start3A_21 = tpu.memref_slice %arg3[%dma_start3A_19, %dma_start3A_20] : memref<32768x64xf32, #tpu.memory_space<hbm>> -> memref<32768x64xf32, #tpu.memory_space<hbm>>
    tpu.enqueue_indirect_dma source(%dma_start3A_21 : memref<32768x64xf32, #tpu.memory_space<hbm>>) target(%dma_start3A_15 : memref<128x64xf32, #tpu.memory_space<vmem>>) offsets(%dma_start3A_18 : memref<128xi32, #tpu.memory_space<vmem>>) semaphore(%arg12 : memref<!tpu.dma_semaphore, #tpu.memory_space<semaphore_mem>>)
    %dma_start3A_22 = arith.constant 2 : i32
    %dma_start3A_23 = arith.constant 256 : i32
    %dma_start3A_24 = arith.constant 0 : i32
    %dma_start3A_25 = tpu.memref_slice %arg9[%dma_start3A_23, %dma_start3A_24] : memref<1152x64xf32, #tpu.memory_space<vmem>> -> memref<128x64xf32, #tpu.memory_space<vmem>>
    %dma_start3A_26 = arith.constant 0 : i32
    %dma_start3A_27 = tpu.memref_slice %arg8[%dma_start3A_22, %dma_start3A_26] : memref<9x128xi32, #tpu.memory_space<vmem>> -> memref<1x128xi32, #tpu.memory_space<vmem>>
    %dma_start3A_28 = tpu.memref_squeeze %dma_start3A_27 : memref<1x128xi32, #tpu.memory_space<vmem>> -> memref<128xi32, #tpu.memory_space<vmem>>
    %dma_start3A_29 = arith.constant 0 : i32
    %dma_start3A_30 = arith.constant 0 : i32
    %dma_start3A_31 = tpu.memref_slice %arg3[%dma_start3A_29, %dma_start3A_30] : memref<32768x64xf32, #tpu.memory_space<hbm>> -> memref<32768x64xf32, #tpu.memory_space<hbm>>
    tpu.enqueue_indirect_dma source(%dma_start3A_31 : memref<32768x64xf32, #tpu.memory_space<hbm>>) target(%dma_start3A_25 : memref<128x64xf32, #tpu.memory_space<vmem>>) offsets(%dma_start3A_28 : memref<128xi32, #tpu.memory_space<vmem>>) semaphore(%arg12 : memref<!tpu.dma_semaphore, #tpu.memory_space<semaphore_mem>>)
    %dma_start3A_32 = arith.constant 3 : i32
    %dma_start3A_33 = arith.constant 384 : i32
    %dma_start3A_34 = arith.constant 0 : i32
    %dma_start3A_35 = tpu.memref_slice %arg9[%dma_start3A_33, %dma_start3A_34] : memref<1152x64xf32, #tpu.memory_space<vmem>> -> memref<128x64xf32, #tpu.memory_space<vmem>>
    %dma_start3A_36 = arith.constant 0 : i32
    %dma_start3A_37 = tpu.memref_slice %arg8[%dma_start3A_32, %dma_start3A_36] : memref<9x128xi32, #tpu.memory_space<vmem>> -> memref<1x128xi32, #tpu.memory_space<vmem>>
    %dma_start3A_38 = tpu.memref_squeeze %dma_start3A_37 : memref<1x128xi32, #tpu.memory_space<vmem>> -> memref<128xi32, #tpu.memory_space<vmem>>
    %dma_start3A_39 = arith.constant 0 : i32
    %dma_start3A_40 = arith.constant 0 : i32
    %dma_start3A_41 = tpu.memref_slice %arg3[%dma_start3A_39, %dma_start3A_40] : memref<32768x64xf32, #tpu.memory_space<hbm>> -> memref<32768x64xf32, #tpu.memory_space<hbm>>
    tpu.enqueue_indirect_dma source(%dma_start3A_41 : memref<32768x64xf32, #tpu.memory_space<hbm>>) target(%dma_start3A_35 : memref<128x64xf32, #tpu.memory_space<vmem>>) offsets(%dma_start3A_38 : memref<128xi32, #tpu.memory_space<vmem>>) semaphore(%arg12 : memref<!tpu.dma_semaphore, #tpu.memory_space<semaphore_mem>>)
    %dma_start3A_42 = arith.constant 4 : i32
    %dma_start3A_43 = arith.constant 512 : i32
    %dma_start3A_44 = arith.constant 0 : i32
    %dma_start3A_45 = tpu.memref_slice %arg9[%dma_start3A_43, %dma_start3A_44] : memref<1152x64xf32, #tpu.memory_space<vmem>> -> memref<128x64xf32, #tpu.memory_space<vmem>>
    %dma_start3A_46 = arith.constant 0 : i32
    %dma_start3A_47 = tpu.memref_slice %arg8[%dma_start3A_42, %dma_start3A_46] : memref<9x128xi32, #tpu.memory_space<vmem>> -> memref<1x128xi32, #tpu.memory_space<vmem>>
    %dma_start3A_48 = tpu.memref_squeeze %dma_start3A_47 : memref<1x128xi32, #tpu.memory_space<vmem>> -> memref<128xi32, #tpu.memory_space<vmem>>
    %dma_start3A_49 = arith.constant 0 : i32
    %dma_start3A_50 = arith.constant 0 : i32
    %dma_start3A_51 = tpu.memref_slice %arg3[%dma_start3A_49, %dma_start3A_50] : memref<32768x64xf32, #tpu.memory_space<hbm>> -> memref<32768x64xf32, #tpu.memory_space<hbm>>
    tpu.enqueue_indirect_dma source(%dma_start3A_51 : memref<32768x64xf32, #tpu.memory_space<hbm>>) target(%dma_start3A_45 : memref<128x64xf32, #tpu.memory_space<vmem>>) offsets(%dma_start3A_48 : memref<128xi32, #tpu.memory_space<vmem>>) semaphore(%arg12 : memref<!tpu.dma_semaphore, #tpu.memory_space<semaphore_mem>>)
    %dma_start3A_52 = arith.constant 5 : i32
    %dma_start3A_53 = arith.constant 640 : i32
    %dma_start3A_54 = arith.constant 0 : i32
    %dma_start3A_55 = tpu.memref_slice %arg9[%dma_start3A_53, %dma_start3A_54] : memref<1152x64xf32, #tpu.memory_space<vmem>> -> memref<128x64xf32, #tpu.memory_space<vmem>>
    %dma_start3A_56 = arith.constant 0 : i32
    %dma_start3A_57 = tpu.memref_slice %arg8[%dma_start3A_52, %dma_start3A_56] : memref<9x128xi32, #tpu.memory_space<vmem>> -> memref<1x128xi32, #tpu.memory_space<vmem>>
    %dma_start3A_58 = tpu.memref_squeeze %dma_start3A_57 : memref<1x128xi32, #tpu.memory_space<vmem>> -> memref<128xi32, #tpu.memory_space<vmem>>
    %dma_start3A_59 = arith.constant 0 : i32
    %dma_start3A_60 = arith.constant 0 : i32
    %dma_start3A_61 = tpu.memref_slice %arg3[%dma_start3A_59, %dma_start3A_60] : memref<32768x64xf32, #tpu.memory_space<hbm>> -> memref<32768x64xf32, #tpu.memory_space<hbm>>
    tpu.enqueue_indirect_dma source(%dma_start3A_61 : memref<32768x64xf32, #tpu.memory_space<hbm>>) target(%dma_start3A_55 : memref<128x64xf32, #tpu.memory_space<vmem>>) offsets(%dma_start3A_58 : memref<128xi32, #tpu.memory_space<vmem>>) semaphore(%arg12 : memref<!tpu.dma_semaphore, #tpu.memory_space<semaphore_mem>>)
    %dma_start3A_62 = arith.constant 6 : i32
    %dma_start3A_63 = arith.constant 768 : i32
    %dma_start3A_64 = arith.constant 0 : i32
    %dma_start3A_65 = tpu.memref_slice %arg9[%dma_start3A_63, %dma_start3A_64] : memref<1152x64xf32, #tpu.memory_space<vmem>> -> memref<128x64xf32, #tpu.memory_space<vmem>>
    %dma_start3A_66 = arith.constant 0 : i32
    %dma_start3A_67 = tpu.memref_slice %arg8[%dma_start3A_62, %dma_start3A_66] : memref<9x128xi32, #tpu.memory_space<vmem>> -> memref<1x128xi32, #tpu.memory_space<vmem>>
    %dma_start3A_68 = tpu.memref_squeeze %dma_start3A_67 : memref<1x128xi32, #tpu.memory_space<vmem>> -> memref<128xi32, #tpu.memory_space<vmem>>
    %dma_start3A_69 = arith.constant 0 : i32
    %dma_start3A_70 = arith.constant 0 : i32
    %dma_start3A_71 = tpu.memref_slice %arg3[%dma_start3A_69, %dma_start3A_70] : memref<32768x64xf32, #tpu.memory_space<hbm>> -> memref<32768x64xf32, #tpu.memory_space<hbm>>
    tpu.enqueue_indirect_dma source(%dma_start3A_71 : memref<32768x64xf32, #tpu.memory_space<hbm>>) target(%dma_start3A_65 : memref<128x64xf32, #tpu.memory_space<vmem>>) offsets(%dma_start3A_68 : memref<128xi32, #tpu.memory_space<vmem>>) semaphore(%arg12 : memref<!tpu.dma_semaphore, #tpu.memory_space<semaphore_mem>>)
    %dma_start3A_72 = arith.constant 7 : i32
    %dma_start3A_73 = arith.constant 896 : i32
    %dma_start3A_74 = arith.constant 0 : i32
    %dma_start3A_75 = tpu.memref_slice %arg9[%dma_start3A_73, %dma_start3A_74] : memref<1152x64xf32, #tpu.memory_space<vmem>> -> memref<128x64xf32, #tpu.memory_space<vmem>>
    %dma_start3A_76 = arith.constant 0 : i32
    %dma_start3A_77 = tpu.memref_slice %arg8[%dma_start3A_72, %dma_start3A_76] : memref<9x128xi32, #tpu.memory_space<vmem>> -> memref<1x128xi32, #tpu.memory_space<vmem>>
    %dma_start3A_78 = tpu.memref_squeeze %dma_start3A_77 : memref<1x128xi32, #tpu.memory_space<vmem>> -> memref<128xi32, #tpu.memory_space<vmem>>
    %dma_start3A_79 = arith.constant 0 : i32
    %dma_start3A_80 = arith.constant 0 : i32
    %dma_start3A_81 = tpu.memref_slice %arg3[%dma_start3A_79, %dma_start3A_80] : memref<32768x64xf32, #tpu.memory_space<hbm>> -> memref<32768x64xf32, #tpu.memory_space<hbm>>
    tpu.enqueue_indirect_dma source(%dma_start3A_81 : memref<32768x64xf32, #tpu.memory_space<hbm>>) target(%dma_start3A_75 : memref<128x64xf32, #tpu.memory_space<vmem>>) offsets(%dma_start3A_78 : memref<128xi32, #tpu.memory_space<vmem>>) semaphore(%arg12 : memref<!tpu.dma_semaphore, #tpu.memory_space<semaphore_mem>>)
    %dma_start3A_82 = arith.constant 8 : i32
    %dma_start3A_83 = arith.constant 1024 : i32
    %dma_start3A_84 = arith.constant 0 : i32
    %dma_start3A_85 = tpu.memref_slice %arg9[%dma_start3A_83, %dma_start3A_84] : memref<1152x64xf32, #tpu.memory_space<vmem>> -> memref<128x64xf32, #tpu.memory_space<vmem>>
    %dma_start3A_86 = arith.constant 0 : i32
    %dma_start3A_87 = tpu.memref_slice %arg8[%dma_start3A_82, %dma_start3A_86] : memref<9x128xi32, #tpu.memory_space<vmem>> -> memref<1x128xi32, #tpu.memory_space<vmem>>
    %dma_start3A_88 = tpu.memref_squeeze %dma_start3A_87 : memref<1x128xi32, #tpu.memory_space<vmem>> -> memref<128xi32, #tpu.memory_space<vmem>>
    %dma_start3A_89 = arith.constant 0 : i32
    %dma_start3A_90 = arith.constant 0 : i32
    %dma_start3A_91 = tpu.memref_slice %arg3[%dma_start3A_89, %dma_start3A_90] : memref<32768x64xf32, #tpu.memory_space<hbm>> -> memref<32768x64xf32, #tpu.memory_space<hbm>>
    tpu.enqueue_indirect_dma source(%dma_start3A_91 : memref<32768x64xf32, #tpu.memory_space<hbm>>) target(%dma_start3A_85 : memref<128x64xf32, #tpu.memory_space<vmem>>) offsets(%dma_start3A_88 : memref<128xi32, #tpu.memory_space<vmem>>) semaphore(%arg12 : memref<!tpu.dma_semaphore, #tpu.memory_space<semaphore_mem>>)
    %run_scoped3A = arith.constant 0 : i32
    "tpu.region"() ({
      %run_scoped3A_196 = tpu.sem_alloc : memref<!tpu.dma_semaphore, #tpu.memory_space<semaphore_mem>>
      %dma_start3A_197 = arith.constant 0 : i32
      %dma_start3A_198 = tpu.memref_slice %arg8[%run_scoped3A, %dma_start3A_197] : memref<9x128xi32, #tpu.memory_space<vmem>> -> memref<1x128xi32, #tpu.memory_space<vmem>>
      %dma_start3A_199 = tpu.memref_squeeze %dma_start3A_198 : memref<1x128xi32, #tpu.memory_space<vmem>> -> memref<128xi32, #tpu.memory_space<vmem>>
      %dma_start3A_200 = arith.constant 0 : i32
      %dma_start3A_201 = arith.constant 0 : i32
      %dma_start3A_202 = tpu.memref_slice %arg11[%dma_start3A_200, %dma_start3A_201] : memref<32768x16xf32, #tpu.memory_space<vmem_shared>> -> memref<32768x16xf32, #tpu.memory_space<vmem_shared>>
      tpu.enqueue_indirect_dma source(%arg10 : memref<128x16xf32, #tpu.memory_space<vmem>>) target(%dma_start3A_202 : memref<32768x16xf32, #tpu.memory_space<vmem_shared>>) offsets(%dma_start3A_199 : memref<128xi32, #tpu.memory_space<vmem>>) semaphore(%run_scoped3A_196 : memref<!tpu.dma_semaphore, #tpu.memory_space<semaphore_mem>>) {add = true}
      %dma_wait3A_203 = arith.constant 0 : i32
      %dma_wait3A_204 = tpu.memref_slice %arg8[%run_scoped3A, %dma_wait3A_203] : memref<9x128xi32, #tpu.memory_space<vmem>> -> memref<1x128xi32, #tpu.memory_space<vmem>>
      %dma_wait3A_205 = tpu.memref_squeeze %dma_wait3A_204 : memref<1x128xi32, #tpu.memory_space<vmem>> -> memref<128xi32, #tpu.memory_space<vmem>>
      %dma_wait3A_206 = arith.constant 0 : i32
      %dma_wait3A_207 = arith.constant 0 : i32
      %dma_wait3A_208 = tpu.memref_slice %arg11[%dma_wait3A_206, %dma_wait3A_207] : memref<32768x16xf32, #tpu.memory_space<vmem_shared>> -> memref<32768x16xf32, #tpu.memory_space<vmem_shared>>
      tpu.wait_indirect_dma semaphore(%run_scoped3A_196 : memref<!tpu.dma_semaphore, #tpu.memory_space<semaphore_mem>>) src(%arg10 : memref<128x16xf32, #tpu.memory_space<vmem>>) dst(%dma_wait3A_208 : memref<32768x16xf32, #tpu.memory_space<vmem_shared>>)
      tpu.yield
    }) : () -> ()
    %run_scoped3A_92 = arith.constant 1 : i32
    "tpu.region"() ({
      %run_scoped3A_196 = tpu.sem_alloc : memref<!tpu.dma_semaphore, #tpu.memory_space<semaphore_mem>>
      %dma_start3A_197 = arith.constant 0 : i32
      %dma_start3A_198 = tpu.memref_slice %arg8[%run_scoped3A_92, %dma_start3A_197] : memref<9x128xi32, #tpu.memory_space<vmem>> -> memref<1x128xi32, #tpu.memory_space<vmem>>
      %dma_start3A_199 = tpu.memref_squeeze %dma_start3A_198 : memref<1x128xi32, #tpu.memory_space<vmem>> -> memref<128xi32, #tpu.memory_space<vmem>>
      %dma_start3A_200 = arith.constant 0 : i32
      %dma_start3A_201 = arith.constant 0 : i32
      %dma_start3A_202 = tpu.memref_slice %arg11[%dma_start3A_200, %dma_start3A_201] : memref<32768x16xf32, #tpu.memory_space<vmem_shared>> -> memref<32768x16xf32, #tpu.memory_space<vmem_shared>>
      tpu.enqueue_indirect_dma source(%arg10 : memref<128x16xf32, #tpu.memory_space<vmem>>) target(%dma_start3A_202 : memref<32768x16xf32, #tpu.memory_space<vmem_shared>>) offsets(%dma_start3A_199 : memref<128xi32, #tpu.memory_space<vmem>>) semaphore(%run_scoped3A_196 : memref<!tpu.dma_semaphore, #tpu.memory_space<semaphore_mem>>) {add = true}
      %dma_wait3A_203 = arith.constant 0 : i32
      %dma_wait3A_204 = tpu.memref_slice %arg8[%run_scoped3A_92, %dma_wait3A_203] : memref<9x128xi32, #tpu.memory_space<vmem>> -> memref<1x128xi32, #tpu.memory_space<vmem>>
      %dma_wait3A_205 = tpu.memref_squeeze %dma_wait3A_204 : memref<1x128xi32, #tpu.memory_space<vmem>> -> memref<128xi32, #tpu.memory_space<vmem>>
      %dma_wait3A_206 = arith.constant 0 : i32
      %dma_wait3A_207 = arith.constant 0 : i32
      %dma_wait3A_208 = tpu.memref_slice %arg11[%dma_wait3A_206, %dma_wait3A_207] : memref<32768x16xf32, #tpu.memory_space<vmem_shared>> -> memref<32768x16xf32, #tpu.memory_space<vmem_shared>>
      tpu.wait_indirect_dma semaphore(%run_scoped3A_196 : memref<!tpu.dma_semaphore, #tpu.memory_space<semaphore_mem>>) src(%arg10 : memref<128x16xf32, #tpu.memory_space<vmem>>) dst(%dma_wait3A_208 : memref<32768x16xf32, #tpu.memory_space<vmem_shared>>)
      tpu.yield
    }) : () -> ()
    %run_scoped3A_93 = arith.constant 2 : i32
    "tpu.region"() ({
      %run_scoped3A_196 = tpu.sem_alloc : memref<!tpu.dma_semaphore, #tpu.memory_space<semaphore_mem>>
      %dma_start3A_197 = arith.constant 0 : i32
      %dma_start3A_198 = tpu.memref_slice %arg8[%run_scoped3A_93, %dma_start3A_197] : memref<9x128xi32, #tpu.memory_space<vmem>> -> memref<1x128xi32, #tpu.memory_space<vmem>>
      %dma_start3A_199 = tpu.memref_squeeze %dma_start3A_198 : memref<1x128xi32, #tpu.memory_space<vmem>> -> memref<128xi32, #tpu.memory_space<vmem>>
      %dma_start3A_200 = arith.constant 0 : i32
      %dma_start3A_201 = arith.constant 0 : i32
      %dma_start3A_202 = tpu.memref_slice %arg11[%dma_start3A_200, %dma_start3A_201] : memref<32768x16xf32, #tpu.memory_space<vmem_shared>> -> memref<32768x16xf32, #tpu.memory_space<vmem_shared>>
      tpu.enqueue_indirect_dma source(%arg10 : memref<128x16xf32, #tpu.memory_space<vmem>>) target(%dma_start3A_202 : memref<32768x16xf32, #tpu.memory_space<vmem_shared>>) offsets(%dma_start3A_199 : memref<128xi32, #tpu.memory_space<vmem>>) semaphore(%run_scoped3A_196 : memref<!tpu.dma_semaphore, #tpu.memory_space<semaphore_mem>>) {add = true}
      %dma_wait3A_203 = arith.constant 0 : i32
      %dma_wait3A_204 = tpu.memref_slice %arg8[%run_scoped3A_93, %dma_wait3A_203] : memref<9x128xi32, #tpu.memory_space<vmem>> -> memref<1x128xi32, #tpu.memory_space<vmem>>
      %dma_wait3A_205 = tpu.memref_squeeze %dma_wait3A_204 : memref<1x128xi32, #tpu.memory_space<vmem>> -> memref<128xi32, #tpu.memory_space<vmem>>
      %dma_wait3A_206 = arith.constant 0 : i32
      %dma_wait3A_207 = arith.constant 0 : i32
      %dma_wait3A_208 = tpu.memref_slice %arg11[%dma_wait3A_206, %dma_wait3A_207] : memref<32768x16xf32, #tpu.memory_space<vmem_shared>> -> memref<32768x16xf32, #tpu.memory_space<vmem_shared>>
      tpu.wait_indirect_dma semaphore(%run_scoped3A_196 : memref<!tpu.dma_semaphore, #tpu.memory_space<semaphore_mem>>) src(%arg10 : memref<128x16xf32, #tpu.memory_space<vmem>>) dst(%dma_wait3A_208 : memref<32768x16xf32, #tpu.memory_space<vmem_shared>>)
      tpu.yield
    }) : () -> ()
    %run_scoped3A_94 = arith.constant 3 : i32
    "tpu.region"() ({
      %run_scoped3A_196 = tpu.sem_alloc : memref<!tpu.dma_semaphore, #tpu.memory_space<semaphore_mem>>
      %dma_start3A_197 = arith.constant 0 : i32
      %dma_start3A_198 = tpu.memref_slice %arg8[%run_scoped3A_94, %dma_start3A_197] : memref<9x128xi32, #tpu.memory_space<vmem>> -> memref<1x128xi32, #tpu.memory_space<vmem>>
      %dma_start3A_199 = tpu.memref_squeeze %dma_start3A_198 : memref<1x128xi32, #tpu.memory_space<vmem>> -> memref<128xi32, #tpu.memory_space<vmem>>
      %dma_start3A_200 = arith.constant 0 : i32
      %dma_start3A_201 = arith.constant 0 : i32
      %dma_start3A_202 = tpu.memref_slice %arg11[%dma_start3A_200, %dma_start3A_201] : memref<32768x16xf32, #tpu.memory_space<vmem_shared>> -> memref<32768x16xf32, #tpu.memory_space<vmem_shared>>
      tpu.enqueue_indirect_dma source(%arg10 : memref<128x16xf32, #tpu.memory_space<vmem>>) target(%dma_start3A_202 : memref<32768x16xf32, #tpu.memory_space<vmem_shared>>) offsets(%dma_start3A_199 : memref<128xi32, #tpu.memory_space<vmem>>) semaphore(%run_scoped3A_196 : memref<!tpu.dma_semaphore, #tpu.memory_space<semaphore_mem>>) {add = true}
      %dma_wait3A_203 = arith.constant 0 : i32
      %dma_wait3A_204 = tpu.memref_slice %arg8[%run_scoped3A_94, %dma_wait3A_203] : memref<9x128xi32, #tpu.memory_space<vmem>> -> memref<1x128xi32, #tpu.memory_space<vmem>>
      %dma_wait3A_205 = tpu.memref_squeeze %dma_wait3A_204 : memref<1x128xi32, #tpu.memory_space<vmem>> -> memref<128xi32, #tpu.memory_space<vmem>>
      %dma_wait3A_206 = arith.constant 0 : i32
      %dma_wait3A_207 = arith.constant 0 : i32
      %dma_wait3A_208 = tpu.memref_slice %arg11[%dma_wait3A_206, %dma_wait3A_207] : memref<32768x16xf32, #tpu.memory_space<vmem_shared>> -> memref<32768x16xf32, #tpu.memory_space<vmem_shared>>
      tpu.wait_indirect_dma semaphore(%run_scoped3A_196 : memref<!tpu.dma_semaphore, #tpu.memory_space<semaphore_mem>>) src(%arg10 : memref<128x16xf32, #tpu.memory_space<vmem>>) dst(%dma_wait3A_208 : memref<32768x16xf32, #tpu.memory_space<vmem_shared>>)
      tpu.yield
    }) : () -> ()
    %run_scoped3A_95 = arith.constant 4 : i32
    "tpu.region"() ({
      %run_scoped3A_196 = tpu.sem_alloc : memref<!tpu.dma_semaphore, #tpu.memory_space<semaphore_mem>>
      %dma_start3A_197 = arith.constant 0 : i32
      %dma_start3A_198 = tpu.memref_slice %arg8[%run_scoped3A_95, %dma_start3A_197] : memref<9x128xi32, #tpu.memory_space<vmem>> -> memref<1x128xi32, #tpu.memory_space<vmem>>
      %dma_start3A_199 = tpu.memref_squeeze %dma_start3A_198 : memref<1x128xi32, #tpu.memory_space<vmem>> -> memref<128xi32, #tpu.memory_space<vmem>>
      %dma_start3A_200 = arith.constant 0 : i32
      %dma_start3A_201 = arith.constant 0 : i32
      %dma_start3A_202 = tpu.memref_slice %arg11[%dma_start3A_200, %dma_start3A_201] : memref<32768x16xf32, #tpu.memory_space<vmem_shared>> -> memref<32768x16xf32, #tpu.memory_space<vmem_shared>>
      tpu.enqueue_indirect_dma source(%arg10 : memref<128x16xf32, #tpu.memory_space<vmem>>) target(%dma_start3A_202 : memref<32768x16xf32, #tpu.memory_space<vmem_shared>>) offsets(%dma_start3A_199 : memref<128xi32, #tpu.memory_space<vmem>>) semaphore(%run_scoped3A_196 : memref<!tpu.dma_semaphore, #tpu.memory_space<semaphore_mem>>) {add = true}
      %dma_wait3A_203 = arith.constant 0 : i32
      %dma_wait3A_204 = tpu.memref_slice %arg8[%run_scoped3A_95, %dma_wait3A_203] : memref<9x128xi32, #tpu.memory_space<vmem>> -> memref<1x128xi32, #tpu.memory_space<vmem>>
      %dma_wait3A_205 = tpu.memref_squeeze %dma_wait3A_204 : memref<1x128xi32, #tpu.memory_space<vmem>> -> memref<128xi32, #tpu.memory_space<vmem>>
      %dma_wait3A_206 = arith.constant 0 : i32
      %dma_wait3A_207 = arith.constant 0 : i32
      %dma_wait3A_208 = tpu.memref_slice %arg11[%dma_wait3A_206, %dma_wait3A_207] : memref<32768x16xf32, #tpu.memory_space<vmem_shared>> -> memref<32768x16xf32, #tpu.memory_space<vmem_shared>>
      tpu.wait_indirect_dma semaphore(%run_scoped3A_196 : memref<!tpu.dma_semaphore, #tpu.memory_space<semaphore_mem>>) src(%arg10 : memref<128x16xf32, #tpu.memory_space<vmem>>) dst(%dma_wait3A_208 : memref<32768x16xf32, #tpu.memory_space<vmem_shared>>)
      tpu.yield
    }) : () -> ()
    %run_scoped3A_96 = arith.constant 5 : i32
    "tpu.region"() ({
      %run_scoped3A_196 = tpu.sem_alloc : memref<!tpu.dma_semaphore, #tpu.memory_space<semaphore_mem>>
      %dma_start3A_197 = arith.constant 0 : i32
      %dma_start3A_198 = tpu.memref_slice %arg8[%run_scoped3A_96, %dma_start3A_197] : memref<9x128xi32, #tpu.memory_space<vmem>> -> memref<1x128xi32, #tpu.memory_space<vmem>>
      %dma_start3A_199 = tpu.memref_squeeze %dma_start3A_198 : memref<1x128xi32, #tpu.memory_space<vmem>> -> memref<128xi32, #tpu.memory_space<vmem>>
      %dma_start3A_200 = arith.constant 0 : i32
      %dma_start3A_201 = arith.constant 0 : i32
      %dma_start3A_202 = tpu.memref_slice %arg11[%dma_start3A_200, %dma_start3A_201] : memref<32768x16xf32, #tpu.memory_space<vmem_shared>> -> memref<32768x16xf32, #tpu.memory_space<vmem_shared>>
      tpu.enqueue_indirect_dma source(%arg10 : memref<128x16xf32, #tpu.memory_space<vmem>>) target(%dma_start3A_202 : memref<32768x16xf32, #tpu.memory_space<vmem_shared>>) offsets(%dma_start3A_199 : memref<128xi32, #tpu.memory_space<vmem>>) semaphore(%run_scoped3A_196 : memref<!tpu.dma_semaphore, #tpu.memory_space<semaphore_mem>>) {add = true}
      %dma_wait3A_203 = arith.constant 0 : i32
      %dma_wait3A_204 = tpu.memref_slice %arg8[%run_scoped3A_96, %dma_wait3A_203] : memref<9x128xi32, #tpu.memory_space<vmem>> -> memref<1x128xi32, #tpu.memory_space<vmem>>
      %dma_wait3A_205 = tpu.memref_squeeze %dma_wait3A_204 : memref<1x128xi32, #tpu.memory_space<vmem>> -> memref<128xi32, #tpu.memory_space<vmem>>
      %dma_wait3A_206 = arith.constant 0 : i32
      %dma_wait3A_207 = arith.constant 0 : i32
      %dma_wait3A_208 = tpu.memref_slice %arg11[%dma_wait3A_206, %dma_wait3A_207] : memref<32768x16xf32, #tpu.memory_space<vmem_shared>> -> memref<32768x16xf32, #tpu.memory_space<vmem_shared>>
      tpu.wait_indirect_dma semaphore(%run_scoped3A_196 : memref<!tpu.dma_semaphore, #tpu.memory_space<semaphore_mem>>) src(%arg10 : memref<128x16xf32, #tpu.memory_space<vmem>>) dst(%dma_wait3A_208 : memref<32768x16xf32, #tpu.memory_space<vmem_shared>>)
      tpu.yield
    }) : () -> ()
    %run_scoped3A_97 = arith.constant 6 : i32
    "tpu.region"() ({
      %run_scoped3A_196 = tpu.sem_alloc : memref<!tpu.dma_semaphore, #tpu.memory_space<semaphore_mem>>
      %dma_start3A_197 = arith.constant 0 : i32
      %dma_start3A_198 = tpu.memref_slice %arg8[%run_scoped3A_97, %dma_start3A_197] : memref<9x128xi32, #tpu.memory_space<vmem>> -> memref<1x128xi32, #tpu.memory_space<vmem>>
      %dma_start3A_199 = tpu.memref_squeeze %dma_start3A_198 : memref<1x128xi32, #tpu.memory_space<vmem>> -> memref<128xi32, #tpu.memory_space<vmem>>
      %dma_start3A_200 = arith.constant 0 : i32
      %dma_start3A_201 = arith.constant 0 : i32
      %dma_start3A_202 = tpu.memref_slice %arg11[%dma_start3A_200, %dma_start3A_201] : memref<32768x16xf32, #tpu.memory_space<vmem_shared>> -> memref<32768x16xf32, #tpu.memory_space<vmem_shared>>
      tpu.enqueue_indirect_dma source(%arg10 : memref<128x16xf32, #tpu.memory_space<vmem>>) target(%dma_start3A_202 : memref<32768x16xf32, #tpu.memory_space<vmem_shared>>) offsets(%dma_start3A_199 : memref<128xi32, #tpu.memory_space<vmem>>) semaphore(%run_scoped3A_196 : memref<!tpu.dma_semaphore, #tpu.memory_space<semaphore_mem>>) {add = true}
      %dma_wait3A_203 = arith.constant 0 : i32
      %dma_wait3A_204 = tpu.memref_slice %arg8[%run_scoped3A_97, %dma_wait3A_203] : memref<9x128xi32, #tpu.memory_space<vmem>> -> memref<1x128xi32, #tpu.memory_space<vmem>>
      %dma_wait3A_205 = tpu.memref_squeeze %dma_wait3A_204 : memref<1x128xi32, #tpu.memory_space<vmem>> -> memref<128xi32, #tpu.memory_space<vmem>>
      %dma_wait3A_206 = arith.constant 0 : i32
      %dma_wait3A_207 = arith.constant 0 : i32
      %dma_wait3A_208 = tpu.memref_slice %arg11[%dma_wait3A_206, %dma_wait3A_207] : memref<32768x16xf32, #tpu.memory_space<vmem_shared>> -> memref<32768x16xf32, #tpu.memory_space<vmem_shared>>
      tpu.wait_indirect_dma semaphore(%run_scoped3A_196 : memref<!tpu.dma_semaphore, #tpu.memory_space<semaphore_mem>>) src(%arg10 : memref<128x16xf32, #tpu.memory_space<vmem>>) dst(%dma_wait3A_208 : memref<32768x16xf32, #tpu.memory_space<vmem_shared>>)
      tpu.yield
    }) : () -> ()
    %run_scoped3A_98 = arith.constant 7 : i32
    "tpu.region"() ({
      %run_scoped3A_196 = tpu.sem_alloc : memref<!tpu.dma_semaphore, #tpu.memory_space<semaphore_mem>>
      %dma_start3A_197 = arith.constant 0 : i32
      %dma_start3A_198 = tpu.memref_slice %arg8[%run_scoped3A_98, %dma_start3A_197] : memref<9x128xi32, #tpu.memory_space<vmem>> -> memref<1x128xi32, #tpu.memory_space<vmem>>
      %dma_start3A_199 = tpu.memref_squeeze %dma_start3A_198 : memref<1x128xi32, #tpu.memory_space<vmem>> -> memref<128xi32, #tpu.memory_space<vmem>>
      %dma_start3A_200 = arith.constant 0 : i32
      %dma_start3A_201 = arith.constant 0 : i32
      %dma_start3A_202 = tpu.memref_slice %arg11[%dma_start3A_200, %dma_start3A_201] : memref<32768x16xf32, #tpu.memory_space<vmem_shared>> -> memref<32768x16xf32, #tpu.memory_space<vmem_shared>>
      tpu.enqueue_indirect_dma source(%arg10 : memref<128x16xf32, #tpu.memory_space<vmem>>) target(%dma_start3A_202 : memref<32768x16xf32, #tpu.memory_space<vmem_shared>>) offsets(%dma_start3A_199 : memref<128xi32, #tpu.memory_space<vmem>>) semaphore(%run_scoped3A_196 : memref<!tpu.dma_semaphore, #tpu.memory_space<semaphore_mem>>) {add = true}
      %dma_wait3A_203 = arith.constant 0 : i32
      %dma_wait3A_204 = tpu.memref_slice %arg8[%run_scoped3A_98, %dma_wait3A_203] : memref<9x128xi32, #tpu.memory_space<vmem>> -> memref<1x128xi32, #tpu.memory_space<vmem>>
      %dma_wait3A_205 = tpu.memref_squeeze %dma_wait3A_204 : memref<1x128xi32, #tpu.memory_space<vmem>> -> memref<128xi32, #tpu.memory_space<vmem>>
      %dma_wait3A_206 = arith.constant 0 : i32
      %dma_wait3A_207 = arith.constant 0 : i32
      %dma_wait3A_208 = tpu.memref_slice %arg11[%dma_wait3A_206, %dma_wait3A_207] : memref<32768x16xf32, #tpu.memory_space<vmem_shared>> -> memref<32768x16xf32, #tpu.memory_space<vmem_shared>>
      tpu.wait_indirect_dma semaphore(%run_scoped3A_196 : memref<!tpu.dma_semaphore, #tpu.memory_space<semaphore_mem>>) src(%arg10 : memref<128x16xf32, #tpu.memory_space<vmem>>) dst(%dma_wait3A_208 : memref<32768x16xf32, #tpu.memory_space<vmem_shared>>)
      tpu.yield
    }) : () -> ()
    %run_scoped3A_99 = arith.constant 8 : i32
    "tpu.region"() ({
      %run_scoped3A_196 = tpu.sem_alloc : memref<!tpu.dma_semaphore, #tpu.memory_space<semaphore_mem>>
      %dma_start3A_197 = arith.constant 0 : i32
      %dma_start3A_198 = tpu.memref_slice %arg8[%run_scoped3A_99, %dma_start3A_197] : memref<9x128xi32, #tpu.memory_space<vmem>> -> memref<1x128xi32, #tpu.memory_space<vmem>>
      %dma_start3A_199 = tpu.memref_squeeze %dma_start3A_198 : memref<1x128xi32, #tpu.memory_space<vmem>> -> memref<128xi32, #tpu.memory_space<vmem>>
      %dma_start3A_200 = arith.constant 0 : i32
      %dma_start3A_201 = arith.constant 0 : i32
      %dma_start3A_202 = tpu.memref_slice %arg11[%dma_start3A_200, %dma_start3A_201] : memref<32768x16xf32, #tpu.memory_space<vmem_shared>> -> memref<32768x16xf32, #tpu.memory_space<vmem_shared>>
      tpu.enqueue_indirect_dma source(%arg10 : memref<128x16xf32, #tpu.memory_space<vmem>>) target(%dma_start3A_202 : memref<32768x16xf32, #tpu.memory_space<vmem_shared>>) offsets(%dma_start3A_199 : memref<128xi32, #tpu.memory_space<vmem>>) semaphore(%run_scoped3A_196 : memref<!tpu.dma_semaphore, #tpu.memory_space<semaphore_mem>>) {add = true}
      %dma_wait3A_203 = arith.constant 0 : i32
      %dma_wait3A_204 = tpu.memref_slice %arg8[%run_scoped3A_99, %dma_wait3A_203] : memref<9x128xi32, #tpu.memory_space<vmem>> -> memref<1x128xi32, #tpu.memory_space<vmem>>
      %dma_wait3A_205 = tpu.memref_squeeze %dma_wait3A_204 : memref<1x128xi32, #tpu.memory_space<vmem>> -> memref<128xi32, #tpu.memory_space<vmem>>
      %dma_wait3A_206 = arith.constant 0 : i32
      %dma_wait3A_207 = arith.constant 0 : i32
      %dma_wait3A_208 = tpu.memref_slice %arg11[%dma_wait3A_206, %dma_wait3A_207] : memref<32768x16xf32, #tpu.memory_space<vmem_shared>> -> memref<32768x16xf32, #tpu.memory_space<vmem_shared>>
      tpu.wait_indirect_dma semaphore(%run_scoped3A_196 : memref<!tpu.dma_semaphore, #tpu.memory_space<semaphore_mem>>) src(%arg10 : memref<128x16xf32, #tpu.memory_space<vmem>>) dst(%dma_wait3A_208 : memref<32768x16xf32, #tpu.memory_space<vmem_shared>>)
      tpu.yield
    }) : () -> ()
    %dma_wait3A = arith.constant 0 : i32
    %dma_wait3A_100 = arith.constant 0 : i32
    %dma_wait3A_101 = arith.constant 0 : i32
    %dma_wait3A_102 = tpu.memref_slice %arg9[%dma_wait3A_100, %dma_wait3A_101] : memref<1152x64xf32, #tpu.memory_space<vmem>> -> memref<128x64xf32, #tpu.memory_space<vmem>>
    %dma_wait3A_103 = arith.constant 0 : i32
    %dma_wait3A_104 = tpu.memref_slice %arg8[%dma_wait3A, %dma_wait3A_103] : memref<9x128xi32, #tpu.memory_space<vmem>> -> memref<1x128xi32, #tpu.memory_space<vmem>>
    %dma_wait3A_105 = tpu.memref_squeeze %dma_wait3A_104 : memref<1x128xi32, #tpu.memory_space<vmem>> -> memref<128xi32, #tpu.memory_space<vmem>>
    %dma_wait3A_106 = arith.constant 0 : i32
    %dma_wait3A_107 = arith.constant 0 : i32
    %dma_wait3A_108 = tpu.memref_slice %arg3[%dma_wait3A_106, %dma_wait3A_107] : memref<32768x64xf32, #tpu.memory_space<hbm>> -> memref<32768x64xf32, #tpu.memory_space<hbm>>
    tpu.wait_indirect_dma semaphore(%arg12 : memref<!tpu.dma_semaphore, #tpu.memory_space<semaphore_mem>>) src(%dma_wait3A_108 : memref<32768x64xf32, #tpu.memory_space<hbm>>) dst(%dma_wait3A_102 : memref<128x64xf32, #tpu.memory_space<vmem>>)
    %dma_wait3A_109 = arith.constant 1 : i32
    %dma_wait3A_110 = arith.constant 128 : i32
    %dma_wait3A_111 = arith.constant 0 : i32
    %dma_wait3A_112 = tpu.memref_slice %arg9[%dma_wait3A_110, %dma_wait3A_111] : memref<1152x64xf32, #tpu.memory_space<vmem>> -> memref<128x64xf32, #tpu.memory_space<vmem>>
    %dma_wait3A_113 = arith.constant 0 : i32
    %dma_wait3A_114 = tpu.memref_slice %arg8[%dma_wait3A_109, %dma_wait3A_113] : memref<9x128xi32, #tpu.memory_space<vmem>> -> memref<1x128xi32, #tpu.memory_space<vmem>>
    %dma_wait3A_115 = tpu.memref_squeeze %dma_wait3A_114 : memref<1x128xi32, #tpu.memory_space<vmem>> -> memref<128xi32, #tpu.memory_space<vmem>>
    %dma_wait3A_116 = arith.constant 0 : i32
    %dma_wait3A_117 = arith.constant 0 : i32
    %dma_wait3A_118 = tpu.memref_slice %arg3[%dma_wait3A_116, %dma_wait3A_117] : memref<32768x64xf32, #tpu.memory_space<hbm>> -> memref<32768x64xf32, #tpu.memory_space<hbm>>
    tpu.wait_indirect_dma semaphore(%arg12 : memref<!tpu.dma_semaphore, #tpu.memory_space<semaphore_mem>>) src(%dma_wait3A_118 : memref<32768x64xf32, #tpu.memory_space<hbm>>) dst(%dma_wait3A_112 : memref<128x64xf32, #tpu.memory_space<vmem>>)
    %dma_wait3A_119 = arith.constant 2 : i32
    %dma_wait3A_120 = arith.constant 256 : i32
    %dma_wait3A_121 = arith.constant 0 : i32
    %dma_wait3A_122 = tpu.memref_slice %arg9[%dma_wait3A_120, %dma_wait3A_121] : memref<1152x64xf32, #tpu.memory_space<vmem>> -> memref<128x64xf32, #tpu.memory_space<vmem>>
    %dma_wait3A_123 = arith.constant 0 : i32
    %dma_wait3A_124 = tpu.memref_slice %arg8[%dma_wait3A_119, %dma_wait3A_123] : memref<9x128xi32, #tpu.memory_space<vmem>> -> memref<1x128xi32, #tpu.memory_space<vmem>>
    %dma_wait3A_125 = tpu.memref_squeeze %dma_wait3A_124 : memref<1x128xi32, #tpu.memory_space<vmem>> -> memref<128xi32, #tpu.memory_space<vmem>>
    %dma_wait3A_126 = arith.constant 0 : i32
    %dma_wait3A_127 = arith.constant 0 : i32
    %dma_wait3A_128 = tpu.memref_slice %arg3[%dma_wait3A_126, %dma_wait3A_127] : memref<32768x64xf32, #tpu.memory_space<hbm>> -> memref<32768x64xf32, #tpu.memory_space<hbm>>
    tpu.wait_indirect_dma semaphore(%arg12 : memref<!tpu.dma_semaphore, #tpu.memory_space<semaphore_mem>>) src(%dma_wait3A_128 : memref<32768x64xf32, #tpu.memory_space<hbm>>) dst(%dma_wait3A_122 : memref<128x64xf32, #tpu.memory_space<vmem>>)
    %dma_wait3A_129 = arith.constant 3 : i32
    %dma_wait3A_130 = arith.constant 384 : i32
    %dma_wait3A_131 = arith.constant 0 : i32
    %dma_wait3A_132 = tpu.memref_slice %arg9[%dma_wait3A_130, %dma_wait3A_131] : memref<1152x64xf32, #tpu.memory_space<vmem>> -> memref<128x64xf32, #tpu.memory_space<vmem>>
    %dma_wait3A_133 = arith.constant 0 : i32
    %dma_wait3A_134 = tpu.memref_slice %arg8[%dma_wait3A_129, %dma_wait3A_133] : memref<9x128xi32, #tpu.memory_space<vmem>> -> memref<1x128xi32, #tpu.memory_space<vmem>>
    %dma_wait3A_135 = tpu.memref_squeeze %dma_wait3A_134 : memref<1x128xi32, #tpu.memory_space<vmem>> -> memref<128xi32, #tpu.memory_space<vmem>>
    %dma_wait3A_136 = arith.constant 0 : i32
    %dma_wait3A_137 = arith.constant 0 : i32
    %dma_wait3A_138 = tpu.memref_slice %arg3[%dma_wait3A_136, %dma_wait3A_137] : memref<32768x64xf32, #tpu.memory_space<hbm>> -> memref<32768x64xf32, #tpu.memory_space<hbm>>
    tpu.wait_indirect_dma semaphore(%arg12 : memref<!tpu.dma_semaphore, #tpu.memory_space<semaphore_mem>>) src(%dma_wait3A_138 : memref<32768x64xf32, #tpu.memory_space<hbm>>) dst(%dma_wait3A_132 : memref<128x64xf32, #tpu.memory_space<vmem>>)
    %dma_wait3A_139 = arith.constant 4 : i32
    %dma_wait3A_140 = arith.constant 512 : i32
    %dma_wait3A_141 = arith.constant 0 : i32
    %dma_wait3A_142 = tpu.memref_slice %arg9[%dma_wait3A_140, %dma_wait3A_141] : memref<1152x64xf32, #tpu.memory_space<vmem>> -> memref<128x64xf32, #tpu.memory_space<vmem>>
    %dma_wait3A_143 = arith.constant 0 : i32
    %dma_wait3A_144 = tpu.memref_slice %arg8[%dma_wait3A_139, %dma_wait3A_143] : memref<9x128xi32, #tpu.memory_space<vmem>> -> memref<1x128xi32, #tpu.memory_space<vmem>>
    %dma_wait3A_145 = tpu.memref_squeeze %dma_wait3A_144 : memref<1x128xi32, #tpu.memory_space<vmem>> -> memref<128xi32, #tpu.memory_space<vmem>>
    %dma_wait3A_146 = arith.constant 0 : i32
    %dma_wait3A_147 = arith.constant 0 : i32
    %dma_wait3A_148 = tpu.memref_slice %arg3[%dma_wait3A_146, %dma_wait3A_147] : memref<32768x64xf32, #tpu.memory_space<hbm>> -> memref<32768x64xf32, #tpu.memory_space<hbm>>
    tpu.wait_indirect_dma semaphore(%arg12 : memref<!tpu.dma_semaphore, #tpu.memory_space<semaphore_mem>>) src(%dma_wait3A_148 : memref<32768x64xf32, #tpu.memory_space<hbm>>) dst(%dma_wait3A_142 : memref<128x64xf32, #tpu.memory_space<vmem>>)
    %dma_wait3A_149 = arith.constant 5 : i32
    %dma_wait3A_150 = arith.constant 640 : i32
    %dma_wait3A_151 = arith.constant 0 : i32
    %dma_wait3A_152 = tpu.memref_slice %arg9[%dma_wait3A_150, %dma_wait3A_151] : memref<1152x64xf32, #tpu.memory_space<vmem>> -> memref<128x64xf32, #tpu.memory_space<vmem>>
    %dma_wait3A_153 = arith.constant 0 : i32
    %dma_wait3A_154 = tpu.memref_slice %arg8[%dma_wait3A_149, %dma_wait3A_153] : memref<9x128xi32, #tpu.memory_space<vmem>> -> memref<1x128xi32, #tpu.memory_space<vmem>>
    %dma_wait3A_155 = tpu.memref_squeeze %dma_wait3A_154 : memref<1x128xi32, #tpu.memory_space<vmem>> -> memref<128xi32, #tpu.memory_space<vmem>>
    %dma_wait3A_156 = arith.constant 0 : i32
    %dma_wait3A_157 = arith.constant 0 : i32
    %dma_wait3A_158 = tpu.memref_slice %arg3[%dma_wait3A_156, %dma_wait3A_157] : memref<32768x64xf32, #tpu.memory_space<hbm>> -> memref<32768x64xf32, #tpu.memory_space<hbm>>
    tpu.wait_indirect_dma semaphore(%arg12 : memref<!tpu.dma_semaphore, #tpu.memory_space<semaphore_mem>>) src(%dma_wait3A_158 : memref<32768x64xf32, #tpu.memory_space<hbm>>) dst(%dma_wait3A_152 : memref<128x64xf32, #tpu.memory_space<vmem>>)
    %dma_wait3A_159 = arith.constant 6 : i32
    %dma_wait3A_160 = arith.constant 768 : i32
    %dma_wait3A_161 = arith.constant 0 : i32
    %dma_wait3A_162 = tpu.memref_slice %arg9[%dma_wait3A_160, %dma_wait3A_161] : memref<1152x64xf32, #tpu.memory_space<vmem>> -> memref<128x64xf32, #tpu.memory_space<vmem>>
    %dma_wait3A_163 = arith.constant 0 : i32
    %dma_wait3A_164 = tpu.memref_slice %arg8[%dma_wait3A_159, %dma_wait3A_163] : memref<9x128xi32, #tpu.memory_space<vmem>> -> memref<1x128xi32, #tpu.memory_space<vmem>>
    %dma_wait3A_165 = tpu.memref_squeeze %dma_wait3A_164 : memref<1x128xi32, #tpu.memory_space<vmem>> -> memref<128xi32, #tpu.memory_space<vmem>>
    %dma_wait3A_166 = arith.constant 0 : i32
    %dma_wait3A_167 = arith.constant 0 : i32
    %dma_wait3A_168 = tpu.memref_slice %arg3[%dma_wait3A_166, %dma_wait3A_167] : memref<32768x64xf32, #tpu.memory_space<hbm>> -> memref<32768x64xf32, #tpu.memory_space<hbm>>
    tpu.wait_indirect_dma semaphore(%arg12 : memref<!tpu.dma_semaphore, #tpu.memory_space<semaphore_mem>>) src(%dma_wait3A_168 : memref<32768x64xf32, #tpu.memory_space<hbm>>) dst(%dma_wait3A_162 : memref<128x64xf32, #tpu.memory_space<vmem>>)
    %dma_wait3A_169 = arith.constant 7 : i32
    %dma_wait3A_170 = arith.constant 896 : i32
    %dma_wait3A_171 = arith.constant 0 : i32
    %dma_wait3A_172 = tpu.memref_slice %arg9[%dma_wait3A_170, %dma_wait3A_171] : memref<1152x64xf32, #tpu.memory_space<vmem>> -> memref<128x64xf32, #tpu.memory_space<vmem>>
    %dma_wait3A_173 = arith.constant 0 : i32
    %dma_wait3A_174 = tpu.memref_slice %arg8[%dma_wait3A_169, %dma_wait3A_173] : memref<9x128xi32, #tpu.memory_space<vmem>> -> memref<1x128xi32, #tpu.memory_space<vmem>>
    %dma_wait3A_175 = tpu.memref_squeeze %dma_wait3A_174 : memref<1x128xi32, #tpu.memory_space<vmem>> -> memref<128xi32, #tpu.memory_space<vmem>>
    %dma_wait3A_176 = arith.constant 0 : i32
    %dma_wait3A_177 = arith.constant 0 : i32
    %dma_wait3A_178 = tpu.memref_slice %arg3[%dma_wait3A_176, %dma_wait3A_177] : memref<32768x64xf32, #tpu.memory_space<hbm>> -> memref<32768x64xf32, #tpu.memory_space<hbm>>
    tpu.wait_indirect_dma semaphore(%arg12 : memref<!tpu.dma_semaphore, #tpu.memory_space<semaphore_mem>>) src(%dma_wait3A_178 : memref<32768x64xf32, #tpu.memory_space<hbm>>) dst(%dma_wait3A_172 : memref<128x64xf32, #tpu.memory_space<vmem>>)
    %dma_wait3A_179 = arith.constant 8 : i32
    %dma_wait3A_180 = arith.constant 1024 : i32
    %dma_wait3A_181 = arith.constant 0 : i32
    %dma_wait3A_182 = tpu.memref_slice %arg9[%dma_wait3A_180, %dma_wait3A_181] : memref<1152x64xf32, #tpu.memory_space<vmem>> -> memref<128x64xf32, #tpu.memory_space<vmem>>
    %dma_wait3A_183 = arith.constant 0 : i32
    %dma_wait3A_184 = tpu.memref_slice %arg8[%dma_wait3A_179, %dma_wait3A_183] : memref<9x128xi32, #tpu.memory_space<vmem>> -> memref<1x128xi32, #tpu.memory_space<vmem>>
    %dma_wait3A_185 = tpu.memref_squeeze %dma_wait3A_184 : memref<1x128xi32, #tpu.memory_space<vmem>> -> memref<128xi32, #tpu.memory_space<vmem>>
    %dma_wait3A_186 = arith.constant 0 : i32
    %dma_wait3A_187 = arith.constant 0 : i32
    %dma_wait3A_188 = tpu.memref_slice %arg3[%dma_wait3A_186, %dma_wait3A_187] : memref<32768x64xf32, #tpu.memory_space<hbm>> -> memref<32768x64xf32, #tpu.memory_space<hbm>>
    tpu.wait_indirect_dma semaphore(%arg12 : memref<!tpu.dma_semaphore, #tpu.memory_space<semaphore_mem>>) src(%dma_wait3A_188 : memref<32768x64xf32, #tpu.memory_space<hbm>>) dst(%dma_wait3A_182 : memref<128x64xf32, #tpu.memory_space<vmem>>)
    %mul3A_189 = arith.constant 1152 : i32
    %mul3A_190 = arith.muli %add3A, %mul3A_189 : i32
    "tpu.region"() ({
      %run_scoped3A_196 = tpu.sem_alloc : memref<!tpu.dma_semaphore, #tpu.memory_space<semaphore_mem>>
      %dma_start3A_197 = arith.constant 0 : i32
      %dma_start3A_198 = tpu.memref_slice %arg6[%mul3A_190, %dma_start3A_197] : memref<36864x64xf32, #tpu.memory_space<hbm>> -> memref<1152x64xf32, #tpu.memory_space<hbm>>
      %dma_start3A_199 = arith.constant 0 : i32
      %dma_start3A_200 = tpu.memref_slice %arg6[%mul3A_190, %dma_start3A_199] : memref<36864x64xf32, #tpu.memory_space<hbm>> -> memref<1152x64xf32, #tpu.memory_space<hbm>>
      tpu.enqueue_dma source(%arg9 : memref<1152x64xf32, #tpu.memory_space<vmem>>) target(%dma_start3A_200 : memref<1152x64xf32, #tpu.memory_space<hbm>>) target_semaphore(%run_scoped3A_196 : memref<!tpu.dma_semaphore, #tpu.memory_space<semaphore_mem>>)
      %dma_wait3A_201 = arith.constant 0 : i32
      %dma_wait3A_202 = tpu.memref_slice %arg6[%mul3A_190, %dma_wait3A_201] : memref<36864x64xf32, #tpu.memory_space<hbm>> -> memref<1152x64xf32, #tpu.memory_space<hbm>>
      %dma_wait3A_203 = arith.constant 0 : i32
      %dma_wait3A_204 = tpu.memref_slice %arg6[%mul3A_190, %dma_wait3A_203] : memref<36864x64xf32, #tpu.memory_space<hbm>> -> memref<1152x64xf32, #tpu.memory_space<hbm>>
      tpu.wait_dma2 semaphore(%run_scoped3A_196 : memref<!tpu.dma_semaphore, #tpu.memory_space<semaphore_mem>>) src(%arg9 : memref<1152x64xf32, #tpu.memory_space<vmem>>) dst(%dma_wait3A_204 : memref<1152x64xf32, #tpu.memory_space<hbm>>)
      tpu.yield
    }) : () -> ()
    %barrier3A_191 = arith.constant 0 : index
    tpu.barrier barrier_id(%barrier3A_191)
    %mul3A_192 = arith.constant 2048 : i32
    %mul3A_193 = arith.muli %arg1, %mul3A_192 : i32
    %mul3A_194 = arith.constant 2048 : i32
    %mul3A_195 = arith.muli %arg1, %mul3A_194 : i32
    "tpu.region"() ({
      %run_scoped3A_196 = tpu.sem_alloc : memref<!tpu.dma_semaphore, #tpu.memory_space<semaphore_mem>>
      %dma_start3A_197 = arith.constant 0 : i32
      %dma_start3A_198 = tpu.memref_slice %arg7[%arg0, %mul3A_195, %dma_start3A_197] : memref<2x32768x16xf32, #tpu.memory_space<hbm>> -> memref<1x2048x16xf32, #tpu.memory_space<hbm>>
      %dma_start3A_199 = tpu.memref_squeeze %dma_start3A_198 : memref<1x2048x16xf32, #tpu.memory_space<hbm>> -> memref<2048x16xf32, #tpu.memory_space<hbm>>
      %dma_start3A_200 = arith.constant 0 : i32
      %dma_start3A_201 = tpu.memref_slice %arg11[%mul3A_193, %dma_start3A_200] : memref<32768x16xf32, #tpu.memory_space<vmem_shared>> -> memref<2048x16xf32, #tpu.memory_space<vmem_shared>>
      tpu.enqueue_dma source(%dma_start3A_201 : memref<2048x16xf32, #tpu.memory_space<vmem_shared>>) target(%dma_start3A_199 : memref<2048x16xf32, #tpu.memory_space<hbm>>) target_semaphore(%run_scoped3A_196 : memref<!tpu.dma_semaphore, #tpu.memory_space<semaphore_mem>>)
      %dma_wait3A_202 = arith.constant 0 : i32
      %dma_wait3A_203 = tpu.memref_slice %arg7[%arg0, %mul3A_195, %dma_wait3A_202] : memref<2x32768x16xf32, #tpu.memory_space<hbm>> -> memref<1x2048x16xf32, #tpu.memory_space<hbm>>
      %dma_wait3A_204 = tpu.memref_squeeze %dma_wait3A_203 : memref<1x2048x16xf32, #tpu.memory_space<hbm>> -> memref<2048x16xf32, #tpu.memory_space<hbm>>
      %dma_wait3A_205 = arith.constant 0 : i32
      %dma_wait3A_206 = tpu.memref_slice %arg11[%mul3A_193, %dma_wait3A_205] : memref<32768x16xf32, #tpu.memory_space<vmem_shared>> -> memref<2048x16xf32, #tpu.memory_space<vmem_shared>>
      tpu.wait_dma2 semaphore(%run_scoped3A_196 : memref<!tpu.dma_semaphore, #tpu.memory_space<semaphore_mem>>) src(%dma_wait3A_206 : memref<2048x16xf32, #tpu.memory_space<vmem_shared>>) dst(%dma_wait3A_204 : memref<2048x16xf32, #tpu.memory_space<hbm>>)
      tpu.yield
    }) : () -> ()
    return
  }
}

module attributes {stable_mosaic.version = 14 : i64} {
  func.func @_argmin_body(%arg0: i32, %arg1: i32, %arg2: memref<1x8192x64xf32, #tpu.memory_space<vmem>>, %arg3: memref<1x64x576xf32, #tpu.memory_space<vmem>>, %arg4: memref<1x1x576xi32, #tpu.memory_space<vmem>>, %arg5: memref<8192x72xf32, #tpu.memory_space<vmem>>) attributes {dimension_semantics = [#tpu.dimension_semantics<arbitrary>, #tpu.dimension_semantics<arbitrary>], iteration_bounds = array<i64: 4, 16>, scalar_prefetch = 0 : i64, scratch_operands = 1 : i64, tpu.core_type = #tpu.core_type<tc>, window_params = [{transform_indices = @transform_0, window_bounds = array<i64: 1, 8192, 64>}, {transform_indices = @transform_1, window_bounds = array<i64: 1, 64, 576>}, {transform_indices = @transform_2, window_bounds = array<i64: 1, 1, 576>}]} {
    %get3A = arith.constant 0 : index
    %get3A_0 = arith.constant 0 : index
    %get3A_1 = arith.constant 0 : index
    %get3A_2 = vector.load %arg3[%get3A, %get3A_0, %get3A_1] : memref<1x64x576xf32, #tpu.memory_space<vmem>>, vector<1x64x576xf32>
    %get3A_3 = vector.shape_cast %get3A_2 : vector<1x64x576xf32> to vector<64x576xf32>
    %eq3A = arith.constant 0 : i32
    %eq3A_4 = arith.cmpi eq, %arg1, %eq3A : i32
    %convert_element_type3A = arith.extui %eq3A_4 : i1 to i32
    %cond3A = arith.constant 0 : i32
    %cond3A_5 = arith.cmpi ne, %convert_element_type3A, %cond3A : i32
    scf.if %cond3A_5 {
      %get3A_21 = arith.constant 0 : index
      %get3A_22 = arith.constant 0 : index
      %get3A_23 = arith.constant 0 : index
      %get3A_24 = vector.load %arg2[%get3A_21, %get3A_22, %get3A_23] : memref<1x8192x64xf32, #tpu.memory_space<vmem>>, vector<1x8192x64xf32>
      %get3A_25 = vector.shape_cast %get3A_24 : vector<1x8192x64xf32> to vector<8192x64xf32>
      %mul3A_26 = arith.mulf %get3A_25, %get3A_25 : vector<8192x64xf32>
      %reduce_sum3A = arith.constant dense<0.000000e+00> : vector<8192xf32>
      %reduce_sum3A_27 = vector.multi_reduction <add>, %mul3A_26, %reduce_sum3A [1] : vector<8192x64xf32> to vector<8192xf32>
      %broadcast_in_dim3A_28 = vector.shape_cast %reduce_sum3A_27 : vector<8192xf32> to vector<8192x1xf32>
      %convert_element_type3A_29 = arith.truncf %broadcast_in_dim3A_28 : vector<8192x1xf32> to vector<8192x1xbf16>
      %convert_element_type3A_30 = arith.extf %convert_element_type3A_29 : vector<8192x1xbf16> to vector<8192x1xf32>
      %sub3A = arith.subf %broadcast_in_dim3A_28, %convert_element_type3A_30 : vector<8192x1xf32>
      %convert_element_type3A_31 = arith.truncf %sub3A : vector<8192x1xf32> to vector<8192x1xbf16>
      %convert_element_type3A_32 = arith.extf %convert_element_type3A_31 : vector<8192x1xbf16> to vector<8192x1xf32>
      %sub3A_33 = arith.subf %sub3A, %convert_element_type3A_32 : vector<8192x1xf32>
      %broadcast_in_dim3A_34 = arith.constant 0.000000e+00 : f32
      %broadcast_in_dim3A_35 = vector.broadcast %broadcast_in_dim3A_34 : f32 to vector<8192x5xf32>
      %concatenate3A_36 = tpu.concatenate %convert_element_type3A_30, %convert_element_type3A_32, %sub3A_33, %broadcast_in_dim3A_35 in 1 : vector<8192x1xf32>, vector<8192x1xf32>, vector<8192x1xf32>, vector<8192x5xf32> -> vector<8192x8xf32>
      %mul3A_37 = arith.constant -2.000000e+00 : f32
      %mul3A_38 = vector.broadcast %mul3A_37 : f32 to vector<8192x64xf32>
      %mul3A_39 = arith.mulf %mul3A_38, %get3A_25 : vector<8192x64xf32>
      %swap3A_40 = arith.constant 0 : index
      %swap3A_41 = arith.constant 0 : index
      %swap3A_42 = vector.load %arg5[%swap3A_40, %swap3A_41] : memref<8192x72xf32, #tpu.memory_space<vmem>>, vector<8192x64xf32>
      tpu.vector_store %arg5[%swap3A_40, %swap3A_41], %mul3A_39 {strides = array<i32>} : memref<8192x72xf32, #tpu.memory_space<vmem>>, vector<8192x64xf32>,
      %swap3A_43 = arith.constant 0 : index
      %swap3A_44 = arith.constant 64 : index
      %swap3A_45 = vector.load %arg5[%swap3A_43, %swap3A_44] : memref<8192x72xf32, #tpu.memory_space<vmem>>, vector<8192x8xf32>
      tpu.vector_store %arg5[%swap3A_43, %swap3A_44], %concatenate3A_36 {strides = array<i32>} : memref<8192x72xf32, #tpu.memory_space<vmem>>, vector<8192x8xf32>,
    } else {
    }
    %broadcast_in_dim3A = arith.constant 1.000000e+00 : f32
    %broadcast_in_dim3A_6 = vector.broadcast %broadcast_in_dim3A : f32 to vector<3x576xf32>
    %broadcast_in_dim3A_7 = arith.constant 0.000000e+00 : f32
    %broadcast_in_dim3A_8 = vector.broadcast %broadcast_in_dim3A_7 : f32 to vector<5x576xf32>
    %concatenate3A = tpu.concatenate %get3A_3, %broadcast_in_dim3A_6, %broadcast_in_dim3A_8 in 0 : vector<64x576xf32>, vector<3x576xf32>, vector<5x576xf32> -> vector<72x576xf32>
    %get3A_9 = arith.constant 0 : index
    %get3A_10 = arith.constant 0 : index
    %get3A_11 = vector.load %arg5[%get3A_9, %get3A_10] : memref<8192x72xf32, #tpu.memory_space<vmem>>, vector<8192x72xf32>
    %dot_general3A = arith.constant dense<0.000000e+00> : vector<8192x576xf32>
    %dot_general3A_12 = tpu.matmul %get3A_11, %concatenate3A, %dot_general3A {dimension_numbers = #tpu.dot_dimension_numbers<[1], [0], [0], [1], [0, 0, 1, 1], [], []>, transpose_lhs_hint = false} : vector<8192x72xf32>, vector<72x576xf32>, vector<8192x576xf32> -> vector<8192x576xf32>
    %argmin3A = tpu.reduce_index %dot_general3A_12 {axis = 0 : i32, kind = #tpu.reduction_kind<arg_min>} : vector<8192x576xf32> -> vector<576xi32>
    %broadcast_in_dim3A_13 = vector.shape_cast %argmin3A : vector<576xi32> to vector<1x576xi32>
    %mul3A = arith.constant 8192 : i32
    %mul3A_14 = arith.muli %arg0, %mul3A : i32
    %add3A = vector.broadcast %mul3A_14 : i32 to vector<1x576xi32>
    %add3A_15 = arith.addi %broadcast_in_dim3A_13, %add3A : vector<1x576xi32>
    %swap3A = arith.constant 0 : index
    %swap3A_16 = arith.constant 0 : index
    %swap3A_17 = arith.constant 0 : index
    %swap3A_18 = vector.load %arg4[%swap3A, %swap3A_16, %swap3A_17] : memref<1x1x576xi32, #tpu.memory_space<vmem>>, vector<1x1x576xi32>
    %swap3A_19 = vector.shape_cast %swap3A_18 : vector<1x1x576xi32> to vector<1x576xi32>
    %swap3A_20 = vector.shape_cast %add3A_15 : vector<1x576xi32> to vector<1x1x576xi32>
    tpu.vector_store %arg4[%swap3A, %swap3A_16, %swap3A_17], %swap3A_20 {strides = array<i32>} : memref<1x1x576xi32, #tpu.memory_space<vmem>>, vector<1x1x576xi32>,
    return
  }
  func.func @transform_0(%arg0: i32, %arg1: i32) -> (i32, i32, i32) {
    %c0_i32 = arith.constant 0 : i32
    %c0_i32_0 = arith.constant 0 : i32
    %c0_i32_1 = arith.constant 0 : i32
    return %arg0, %c0_i32, %c0_i32_0 : i32, i32, i32
  }
  func.func @transform_1(%arg0: i32, %arg1: i32) -> (i32, i32, i32) {
    %c0_i32 = arith.constant 0 : i32
    %c0_i32_0 = arith.constant 0 : i32
    return %arg1, %arg0, %c0_i32 : i32, i32, i32
  }
  func.func @transform_2(%arg0: i32, %arg1: i32) -> (i32, i32, i32) {
    %mul3A = arith.constant 16 : i32
    %mul3A_0 = arith.muli %arg0, %mul3A : i32
    %add3A = arith.addi %mul3A_0, %arg1 : i32
    %c0_i32 = arith.constant 0 : i32
    %c0_i32_1 = arith.constant 0 : i32
    %c0_i32_2 = arith.constant 0 : i32
    return %add3A, %c0_i32, %c0_i32_1 : i32, i32, i32
  }
}

module attributes {stable_mosaic.version = 14 : i64} {
  func.func @_finish_body(%arg0: i32, %arg1: memref<1x256x576xf32, #tpu.memory_space<vmem>>, %arg2: memref<1x256x576xf32, #tpu.memory_space<vmem>>, %arg3: memref<2x4x64x128xf32, #tpu.memory_space<vmem>>, %arg4: memref<1x1xf32, #tpu.memory_space<vmem>>, %arg5: memref<1x1xf32, #tpu.memory_space<vmem>>, %arg6: memref<1xf32, #tpu.memory_space<smem>>) attributes {dimension_semantics = [#tpu.dimension_semantics<arbitrary>], iteration_bounds = array<i64: 16>, scalar_prefetch = 0 : i64, scratch_operands = 1 : i64, tpu.core_type = #tpu.core_type<tc>, window_params = [{transform_indices = @transform_0, window_bounds = array<i64: 1, 256, 576>}, {transform_indices = @transform_1, window_bounds = array<i64: 1, 256, 576>}, {pipeline_mode = #tpu.pipeline_mode<synchronous>, transform_indices = @transform_2, window_bounds = array<i64: 2, 4, 64, 128>}, {pipeline_mode = #tpu.pipeline_mode<synchronous>, transform_indices = @transform_3, window_bounds = array<i64: 1, 1>}, {pipeline_mode = #tpu.pipeline_mode<synchronous>, transform_indices = @transform_4, window_bounds = array<i64: 1, 1>}]} {
    %eq3A = arith.constant 0 : i32
    %eq3A_0 = arith.cmpi eq, %arg0, %eq3A : i32
    %convert_element_type3A = arith.extui %eq3A_0 : i1 to i32
    %cond3A = arith.constant 0 : i32
    %cond3A_1 = arith.cmpi ne, %convert_element_type3A, %cond3A : i32
    scf.if %cond3A_1 {
      %swap3A_21 = arith.constant 0.000000e+00 : f32
      %swap3A_22 = arith.constant 0 : index
      %swap3A_23 = memref.load %arg6[%swap3A_22] : memref<1xf32, #tpu.memory_space<smem>>
      memref.store %swap3A_21, %arg6[%swap3A_22] : memref<1xf32, #tpu.memory_space<smem>>
    } else {
    }
    %get3A = arith.constant 0 : index
    %get3A_2 = arith.constant 0 : index
    %get3A_3 = arith.constant 0 : index
    %get3A_4 = vector.load %arg1[%get3A, %get3A_2, %get3A_3] : memref<1x256x576xf32, #tpu.memory_space<vmem>>, vector<1x256x576xf32>
    %get3A_5 = arith.constant 0 : index
    %get3A_6 = arith.constant 0 : index
    %get3A_7 = arith.constant 0 : index
    %get3A_8 = vector.load %arg2[%get3A_5, %get3A_6, %get3A_7] : memref<1x256x576xf32, #tpu.memory_space<vmem>>, vector<1x256x576xf32>
    %sub3A = arith.subf %get3A_4, %get3A_8 : vector<1x256x576xf32>
    %get3A_9 = arith.constant 0 : index
    %get3A_10 = memref.load %arg6[%get3A_9] : memref<1xf32, #tpu.memory_space<smem>>
    %mul3A = arith.mulf %sub3A, %sub3A : vector<1x256x576xf32>
    %reduce_sum3A = vector.shape_cast %mul3A : vector<1x256x576xf32> to vector<1x1x256x576xf32>
    %reduce_sum3A_11 = arith.constant dense<0.000000e+00> : vector<1xf32>
    %reduce_sum3A_12 = vector.multi_reduction <add>, %reduce_sum3A, %reduce_sum3A_11 [1, 2, 3] : vector<1x1x256x576xf32> to vector<1xf32>
    %reduce_sum3A_13 = vector.shape_cast %reduce_sum3A_12 : vector<1xf32> to vector<1x1x1x1xf32>
    %reduce_sum3A_14 = vector.extract %reduce_sum3A_13[0, 0, 0, 0] : f32 from vector<1x1x1x1xf32>
    %add3A = arith.addf %get3A_10, %reduce_sum3A_14 : f32
    %swap3A = arith.constant 0 : index
    %swap3A_15 = memref.load %arg6[%swap3A] : memref<1xf32, #tpu.memory_space<smem>>
    memref.store %add3A, %arg6[%swap3A] : memref<1xf32, #tpu.memory_space<smem>>
    %eq3A_16 = arith.constant 15 : i32
    %eq3A_17 = arith.cmpi eq, %arg0, %eq3A_16 : i32
    %convert_element_type3A_18 = arith.extui %eq3A_17 : i1 to i32
    %cond3A_19 = arith.constant 0 : i32
    %cond3A_20 = arith.cmpi ne, %convert_element_type3A_18, %cond3A_19 : i32
    scf.if %cond3A_20 {
      %get3A_21 = arith.constant 0 : index
      %get3A_22 = memref.load %arg6[%get3A_21] : memref<1xf32, #tpu.memory_space<smem>>
      %mul3A_23 = arith.constant 5.2981909E-7 : f32
      %mul3A_24 = arith.mulf %get3A_22, %mul3A_23 : f32
      %broadcast_in_dim3A = vector.broadcast %mul3A_24 : f32 to vector<1x1xf32>
      %swap3A_25 = arith.constant 0 : index
      %swap3A_26 = arith.constant 0 : index
      %swap3A_27 = vector.load %arg4[%swap3A_25, %swap3A_26] : memref<1x1xf32, #tpu.memory_space<vmem>>, vector<1x1xf32>
      tpu.vector_store %arg4[%swap3A_25, %swap3A_26], %broadcast_in_dim3A {strides = array<i32>} : memref<1x1xf32, #tpu.memory_space<vmem>>, vector<1x1xf32>,
      %get3A_28 = arith.constant 0 : index
      %get3A_29 = arith.constant 0 : index
      %get3A_30 = arith.constant 0 : index
      %get3A_31 = arith.constant 0 : index
      %get3A_32 = vector.load %arg3[%get3A_28, %get3A_29, %get3A_30, %get3A_31] : memref<2x4x64x128xf32, #tpu.memory_space<vmem>>, vector<1x4x64x128xf32>
      %get3A_33 = vector.shape_cast %get3A_32 : vector<1x4x64x128xf32> to vector<4x64x128xf32>
      %get3A_34 = arith.constant 1 : index
      %get3A_35 = arith.constant 0 : index
      %get3A_36 = arith.constant 0 : index
      %get3A_37 = arith.constant 0 : index
      %get3A_38 = vector.load %arg3[%get3A_34, %get3A_35, %get3A_36, %get3A_37] : memref<2x4x64x128xf32, #tpu.memory_space<vmem>>, vector<1x4x64x128xf32>
      %get3A_39 = vector.shape_cast %get3A_38 : vector<1x4x64x128xf32> to vector<4x64x128xf32>
      %add3A_40 = arith.addf %get3A_33, %get3A_39 : vector<4x64x128xf32>
      %mul3A_41 = arith.constant 1.08506945E-4 : f32
      %mul3A_42 = vector.broadcast %mul3A_41 : f32 to vector<4x64x128xf32>
      %mul3A_43 = arith.mulf %add3A_40, %mul3A_42 : vector<4x64x128xf32>
      %add3A_44 = arith.constant 1.000000e-10 : f32
      %add3A_45 = vector.broadcast %add3A_44 : f32 to vector<4x64x128xf32>
      %add3A_46 = arith.addf %mul3A_43, %add3A_45 : vector<4x64x128xf32>
      %log3A = math.log %add3A_46 : vector<4x64x128xf32>
      %mul3A_47 = arith.mulf %mul3A_43, %log3A : vector<4x64x128xf32>
      %reduce_sum3A_48 = arith.constant dense<0.000000e+00> : vector<4xf32>
      %reduce_sum3A_49 = vector.multi_reduction <add>, %mul3A_47, %reduce_sum3A_48 [1, 2] : vector<4x64x128xf32> to vector<4xf32>
      %neg3A = arith.constant 0.000000e+00 : f32
      %neg3A_50 = vector.broadcast %neg3A : f32 to vector<4xf32>
      %neg3A_51 = arith.subf %neg3A_50, %reduce_sum3A_49 : vector<4xf32>
      %exp3A = math.exp %neg3A_51 : vector<4xf32>
      %reduce_sum3A_52 = vector.shape_cast %exp3A : vector<4xf32> to vector<1x4xf32>
      %reduce_sum3A_53 = arith.constant dense<0.000000e+00> : vector<1xf32>
      %reduce_sum3A_54 = vector.multi_reduction <add>, %reduce_sum3A_52, %reduce_sum3A_53 [1] : vector<1x4xf32> to vector<1xf32>
      %reduce_sum3A_55 = vector.shape_cast %reduce_sum3A_54 : vector<1xf32> to vector<1x1xf32>
      %reduce_sum3A_56 = vector.extract %reduce_sum3A_55[0, 0] : f32 from vector<1x1xf32>
      %div3A = arith.constant 4.000000e+00 : f32
      %div3A_57 = arith.divf %reduce_sum3A_56, %div3A : f32
      %broadcast_in_dim3A_58 = vector.broadcast %div3A_57 : f32 to vector<1x1xf32>
      %swap3A_59 = arith.constant 0 : index
      %swap3A_60 = arith.constant 0 : index
      %swap3A_61 = vector.load %arg5[%swap3A_59, %swap3A_60] : memref<1x1xf32, #tpu.memory_space<vmem>>, vector<1x1xf32>
      tpu.vector_store %arg5[%swap3A_59, %swap3A_60], %broadcast_in_dim3A_58 {strides = array<i32>} : memref<1x1xf32, #tpu.memory_space<vmem>>, vector<1x1xf32>,
    } else {
    }
    return
  }
  func.func @transform_0(%arg0: i32) -> (i32, i32, i32) {
    %c0_i32 = arith.constant 0 : i32
    %c0_i32_0 = arith.constant 0 : i32
    %c0_i32_1 = arith.constant 0 : i32
    return %arg0, %c0_i32, %c0_i32_0 : i32, i32, i32
  }
  func.func @transform_1(%arg0: i32) -> (i32, i32, i32) {
    %c0_i32 = arith.constant 0 : i32
    %c0_i32_0 = arith.constant 0 : i32
    %c0_i32_1 = arith.constant 0 : i32
    return %arg0, %c0_i32, %c0_i32_0 : i32, i32, i32
  }
  func.func @transform_2(%arg0: i32) -> (i32, i32, i32, i32) {
    %c0_i32 = arith.constant 0 : i32
    %c0_i32_0 = arith.constant 0 : i32
    %c0_i32_1 = arith.constant 0 : i32
    %c0_i32_2 = arith.constant 0 : i32
    %c0_i32_3 = arith.constant 0 : i32
    return %c0_i32, %c0_i32_0, %c0_i32_1, %c0_i32_2 : i32, i32, i32, i32
  }
  func.func @transform_3(%arg0: i32) -> (i32, i32) {
    %c0_i32 = arith.constant 0 : i32
    %c0_i32_0 = arith.constant 0 : i32
    %c0_i32_1 = arith.constant 0 : i32
    return %c0_i32, %c0_i32_0 : i32, i32
  }
  func.func @transform_4(%arg0: i32) -> (i32, i32) {
    %c0_i32 = arith.constant 0 : i32
    %c0_i32_0 = arith.constant 0 : i32
    %c0_i32_1 = arith.constant 0 : i32
    return %c0_i32, %c0_i32_0 : i32, i32
  }
}

</mosaic_0001>

<sc_bundles>
// kernel: kernel.5.cloned.1.call-start
scs
__scs_entry_jumppad:
0x0: {  	(pc) =	sbr.rel $0x88, $3  }
0x1: {  	(tag) =	ssettag $0x0;
	lr =	simm.s32 $0x1  }
0x2: {  	[smem:$0x3F9F] =	sst lr;
	_ =	strace $0xD0000000  }
0x3: {  	_ = 	snop  }
0x4: {  	_ = 	snop  }
0x5: {  	_ = 	snop  }
0x6: {  	_ = 	snop  }
0x7: {  	_ = 	snop  }
__scs_overlays_trampoline_lowered:
0x8: {  	[smem:$0x3FAE] =	sst s0  }
0x9: {  	[smem:$0x3FAF] =	sst s1  }
0xa: {  	[smem:$0x3FB0] =	sst s2  }
0xb: {  	[smem:$0x3FB1] =	sst s3  }
0xc: {  	[smem:$0x3FB2] =	sst s4  }
0xd: {  	[smem:$0x3FB3] =	sst s5  }
0xe: {  	[smem:$0x3FB4] =	sst s6  }
0xf: {  	[smem:$0x3FB5] =	sst s7  }
0x10: {  	[smem:$0x3FB6] =	sst s8  }
0x11: {  	[smem:$0x3FB7] =	sst s9;
	s0 =	simm.s32 @!p0 $0x0  }
0x12: {  	s1 =	sld [smem:$0x3F9D];
	s0 =	simm.s32 @p0 $0x1  }
0x13: {  	[smem:$0x3FB8] =	sst s0;
	s0 =	simm.s32 @!p1 $0x0  }
0x14: {  	s2 =	sld [smem:$0x3F9C];
	s0 =	simm.s32 @p1 $0x1  }
0x15: {  	[smem:$0x3FB9] =	sst s0;
	s0 =	simm.s32 @!p2 $0x0  }
0x16: {  	s3 =	sld [smem:$0x3FDB];
	s0 =	simm.s32 @p2 $0x1  }
0x17: {  	s4 =	simm.s32 $0x1BF5;
	[smem:$0x3FBB] =	sst s0  }
0x18: {  	s0 =	sld [smem:$0x3F9E];
	_ =	swait.ge [sflag:s4], $0x0  }
0x19: {  	s7 =	sld [smem:$0x3F9F]  }
0x1a: {  	s8 =	sadd.s32 $0xFFFFE003, lr  }
0x1b: {  	s9 =	sadd.s32 $0xFFFFFEF7, lr;
	s5 =	simm.s32 $0xFFFFFFFF;
	p2 =	slt.u32 s8, $0xFFFFF086  }
0x1c: {  	p1 =	slt.u32 s9, $0xF7A;
	s5 =	simm.s32 @!p2 $0x0  }
0x1d: {  	s5 =	simm.s32 @p1 $0x1;
	p0 =	seq.s32 s7, s2  }
0x1e: {  	s7 =	smul.u32 @!p0 $0xF7A, s2;
	p2 =	seq.s32 @!p0 s5, $0x0  }
0x1f: {  	s9 =	smul.u32 $0xF7A, s1;
	s8 =	simm.s32 @!p0 $0x1BF5;
	p2 =	por !p2, p0  }
0x20: {  	[sflag:s8] =	ssyncset.s32 @!p0 $0xFFFFF086;
	s6 =	sadd.s32 @!p0 s3, s7;
	s7 =	simm.s32 @!p0 $0x108  }
0x21: {  	s3 =	sadd.s32 s3, s9;
	s6 =	sadd.s32 @!p0 $0x88, s6;
	s7 =	simm.s32 @p2 $0x1082  }
0x22: {  	[simem:s7], [sflag:s8] =	dma.local @!p0 [hbm:s6], $0xF7A  }
0x23: {  	s9 =	sor.u32 $0xD0000000, s2;
	s6 =	simm.s32 $0x108;
	_ =	swait.ge @!p0 [sflag:s8], $0x0  }
0x24: {  	s3 =	sadd.s32 $0x88, s3;
	s6 =	simm.s32 @!p1 $0x1082;
	[sflag:s4] =	ssyncset.s32 $0xFFFFF086  }
0x25: {  	[simem:s6], [sflag:s4] =	dma.local [hbm:s3], $0xF7A  }
0x26: {  	[smem:$0x3F9F] =	sst s1;
	(tag) =	ssettag s2;
	_ =	strace s9  }
0x27: {  	s1 =	sld [smem:$0x3FAF]  }
0x28: {  	s2 =	sld [smem:$0x3FB0]  }
0x29: {  	s4 =	sld [smem:$0x3FB2]  }
0x2a: {  	p0 =	seq.s32 s5, $0x0;
	s5 =	sld [smem:$0x3FB3]  }
0x2b: {  	s6 =	sld [smem:$0x3FB4]  }
0x2c: {  	s7 =	sld [smem:$0x3FB5]  }
0x2d: {  	s3 =	simm.s32 $0x108;
	s8 =	sld [smem:$0x3FB6]  }
0x2e: {  	s3 =	simm.s32 @!p0 $0x1082;
	s9 =	sld [smem:$0x3FB7]  }
0x2f: {  	lr =	sadd.s32 s0, s3;
	s0 =	sld [smem:$0x3FAE]  }
0x30: {  	s3 =	sld [smem:$0x3FB1]  }
0x31: {  	[smem:$0x3FBA] =	sst s10  }
0x32: {  	s10 =	sld [smem:$0x3FB8];
	_ =	sdelay $0x3  }
0x33: {  	p0 =	seq.s32 s10, $0x1;
	s10 =	sld [smem:$0x3FBA];
	_ =	sdelay $0x3  }
0x34: {  	[smem:$0x3FBA] =	sst s10  }
0x35: {  	s10 =	sld [smem:$0x3FB9];
	_ =	sdelay $0x3  }
0x36: {  	p1 =	seq.s32 s10, $0x1;
	s10 =	sld [smem:$0x3FBA];
	_ =	sdelay $0x3  }
0x37: {  	[smem:$0x3FBA] =	sst s10  }
0x38: {  	s10 =	sld [smem:$0x3FBB]  }
0x39: {  	_ = 	snop;
	(pc) =	sbr.ind lr, $3  }
0x3a: {  	_ = 	snop  }
0x3b: {  	_ = 	snop  }
0x3c: {  	p2 =	seq.s32 s10, $0x1;
	s10 =	sld [smem:$0x3FBA]  }
0x3d: {  	_ =	shalt  }
0x3e: {  	_ =	shalt  }
0x3f: {  	_ =	shalt  }
0x40: {  	_ =	shalt  }
0x41: {  	_ =	shalt  }
0x42: {  	_ =	shalt  }
0x43: {  	_ =	shalt  }
0x44: {  	_ =	shalt  }
0x45: {  	_ =	shalt  }
0x46: {  	_ =	shalt  }
0x47: {  	_ =	shalt  }
0x48: {  	_ =	shalt  }
0x49: {  	_ =	shalt  }
0x4a: {  	_ =	shalt  }
0x4b: {  	_ =	shalt  }
0x4c: {  	_ =	shalt  }
0x4d: {  	_ =	shalt  }
0x4e: {  	_ =	shalt  }
0x4f: {  	_ =	shalt  }
0x50: {  	_ =	shalt  }
0x51: {  	_ =	shalt  }
0x52: {  	_ =	shalt  }
0x53: {  	_ =	shalt  }
0x54: {  	_ =	shalt  }
0x55: {  	_ =	shalt  }
0x56: {  	_ =	shalt  }
0x57: {  	_ =	shalt  }
0x58: {  	_ =	shalt  }
0x59: {  	_ =	shalt  }
0x5a: {  	_ =	shalt  }
0x5b: {  	_ =	shalt  }
0x5c: {  	_ =	shalt  }
0x5d: {  	_ =	shalt  }
0x5e: {  	_ =	shalt  }
0x5f: {  	_ =	shalt  }
0x60: {  	_ =	shalt  }
0x61: {  	_ =	shalt  }
0x62: {  	_ =	shalt  }
0x63: {  	_ =	shalt  }
0x64: {  	_ =	shalt  }
0x65: {  	_ =	shalt  }
0x66: {  	_ =	shalt  }
0x67: {  	_ =	shalt  }
0x68: {  	_ =	shalt  }
0x69: {  	_ =	shalt  }
0x6a: {  	_ =	shalt  }
0x6b: {  	_ =	shalt  }
0x6c: {  	_ =	shalt  }
0x6d: {  	_ =	shalt  }
0x6e: {  	_ =	shalt  }
0x6f: {  	_ =	shalt  }
0x70: {  	_ =	shalt  }
0x71: {  	_ =	shalt  }
0x72: {  	_ =	shalt  }
0x73: {  	_ =	shalt  }
0x74: {  	_ =	shalt  }
0x75: {  	_ =	shalt  }
0x76: {  	_ =	shalt  }
0x77: {  	_ =	shalt  }
0x78: {  	_ =	shalt  }
0x79: {  	_ =	shalt  }
0x7a: {  	_ =	shalt  }
0x7b: {  	_ =	shalt  }
0x7c: {  	_ =	shalt  }
0x7d: {  	_ =	shalt  }
0x7e: {  	_ =	shalt  }
0x7f: {  	_ =	shalt  }
0x80: {  	_ =	shalt  }
0x81: {  	_ =	shalt  }
0x82: {  	_ =	shalt  }
0x83: {  	_ =	shalt  }
0x84: {  	_ =	shalt  }
0x85: {  	_ =	shalt  }
0x86: {  	_ =	shalt  }
0x87: {  	_ =	shalt  }
.Lfunc_end0:
.L_simem_size_0:
called_computation_lowered:
.L_overlay_start_0:
0x88: {  	s2 =	sld [smem:$0x3FD9]  }
0x89: {  	s3 =	sld [smem:$0x3FFE];
	_ =	sdelay $0x1  }
0x8a: {  	s1 =	srdreg.scid  }
0x8b: {  	s0 =	sand.u32 $0x1, s1  }
0x8c: {  	s14 =	sshll.u32 s0, $0xA;
	s2 =	sadd.s32 s3, s2  }
0x8d: {  	s2 =	sadd.s32 s2, s14  }
0x8e: {  	[smem:$0x3FC6] =	sst s2  }
0x8f: {  	_ = 	snop  }
0x90: {  	s2 =	sld [smem:$0x3FD0];
	_ =	sdelay $0x2  }
0x91: {  	s15 =	simm.s32 $0xA;
	s4 =	simm.s32 $0x10  }
0x92: {  	[smem:s4], [sflag:s15] =	dma.local [hbm:s2], $0x1  }
0x93: {  	_ =	swait.eq [sflag:s15], $0x1  }
0x94: {  	[sflag:s15] =	ssyncset.done $0x0  }
0x95: {  	[sflag:s15] =	ssyncadd.s32 $0xFFFFFFFF  }
0x96: {  	s16 =	sld [smem:$0x10];
	(tm) =	ssettm $0x1  }
0x97: {  	s17 =	sld [smem:$0x3FFB];
	_ =	sdelay $0x3  }
0x98: {  	_ =	strace s17  }
0x99: {  	s3 =	sld [smem:$0x3FFC];
	_ =	sdelay $0x3  }
0x9a: {  	_ =	strace s3  }
0x9b: {  	s3 =	sld [smem:$0x3FFD];
	_ =	sdelay $0x3  }
0x9c: {  	_ =	strace s3  }
0x9d: {  	_ =	strace $0x8FFFFFFF  }
0x9e: {  	s18 =	sld [smem:$0x3FDB];
	_ =	sdelay $0x1  }
0x9f: {  	s19 =	simm.s32 $_scs_section_size  }
0xa0: {  	s5 =	simm.s32 $_size__tile_overlayer_lowered;
	s6 =	simm.s32 $_tile_overlayer_lowered  }
0xa1: {  	s22 =	simm.s32 $0x1BFF;
	s21 =	sshll.u32 s6, $0x1;
	s3 =	sadd.s32 s19, s18  }
0xa2: {  	s7 =	simm.s32 $0x0;
	s20 =	sshll.u32 s5, $0x1;
	s5 =	sadd.s32 s21, s3  }
0xa3: {  	[timem:s7], [sflag:s22] =	dma.local [hbm:s5], s20  }
0xa4: {  	_ =	swait.ge [sflag:s22], s20  }
0xa5: {  	s4 =	ssub.s32 $0x0, s20;
	[sflag:s22] =	ssyncset.done $0x0  }
0xa6: {  	[sflag:s22] =	ssyncadd.s32 s4;
	_ =	sdelay $0x1  }
0xa7: {  	s23 =	simm.s32 $0x1B8B  }
0xa8: {  	_ =	swait.ge [sflag:s23], $0x1  }
0xa9: {  	[sflag:s23] =	ssyncset.done $0x0  }
0xaa: {  	s25 =	simm.s32 $0x1B8E;
	s24 =	sld [smem:$0x3FFE];
	[sflag:s23] =	ssyncadd.s32 $0xFFFFFFFF  }
0xab: {  	s26 =	simm.s32 $execute0_lowered;
	[smem:$0x3FD2] =	sst s25  }
0xac: {  	s5 =	sshll.u32 s26, $0x1;
	_ =	strace $0x80000046;
	[dreg:$0x1] =	wrdreg $0xFFFFFFFF  }
0xad: {  	s28 =	simm.s32 $_size_execute0_lowered;
	s3 =	sadd.s32 s3, s5;
	[dreg:$0x0] =	wrdreg $0x0  }
0xae: {  	s5 =	sshll.u32 s28, $0x1;
	[dreg:$0x2] =	wrdreg s3  }
0xaf: {  	[dreg:$0x3] =	wrdreg s5  }
0xb0: {  	[dreg:$0x4] =	wrdreg $0xC0  }
0xb1: {  	_ =	task [dreg:s7], $0x5FFFF  }
0xb2: {  	[dreg:$0x1] =	wrdreg $0xFFFFFFFF  }
0xb3: {  	[dreg:$0x0] =	wrdreg $0x60  }
0xb4: {  	[dreg:$0x2] =	wrdreg s24  }
0xb5: {  	[dreg:$0x3] =	wrdreg s16  }
0xb6: {  	[dreg:$0x4] =	wrdreg $0x12C800  }
0xb7: {  	[dreg:$0x5] =	wrdreg $0x9  }
0xb8: {  	_ =	task.clear_ibuf [dreg:s7], $0x6FFFF;
	_ =	strace $0x90000046  }
0xb9: {  	s29 =	simm.s32 $0x9;
	_ =	strace $0x80000048  }
0xba: {  	_ =	swait.ge [sflag:s29], $0x1  }
0xbb: {  	[sflag:s29] =	ssyncadd.s32 $0xFFFFFFFF  }
0xbc: {  	_ =	strace $0x90000048  }
0xbd: {  	_ =	sfence  }
0xbe: {  	s30 =	sld [smem:$0x0];
	_ =	sdelay $0x2  }
0xbf: {  	s31 =	sshll.u32 s1, $0xD;
	s1 =	sshrl.u32 s1, $0x2  }
0xc0: {  	s3 =	sand.u32 $0x4000, s31;
	s1 =	sadd.s32 s1, s30  }
0xc1: {  	s0 =	sor.u32 s3, s0;
	s1 =	sshll.u32 s1, $0x11  }
0xc2: {  	s0 =	sor.u32 s1, s0  }
0xc3: {  	s0 =	sadd.s32 $0x8F2B, s0  }
0xc4: {  	[sflag:s0] =	ssyncadd.remote.s32 $0x1  }
0xc5: {  	_ =	sfence.sel $0xFFFF  }
0xc6: {  	[dreg:$0x0] =	wrdreg $0xFFFFFFFF;
	(pc) =	sbr.abs _section_cstart, $3  }
0xc7: {  	[dreg:$0x1] =	wrdreg $0xFFFFFFFF  }
0xc8: {  	_ =	task.clear_ibuf [dreg:s7], $0x2FFFF;
	_ =	strace $0x9FFFFFFF  }
0xc9: {  	(tm) =	ssettm $0x7FFFFFFF  }
tec
execute0_lowered:
.L_overlay_start_1:
0x0: {  	(tag) =	ssettag $0x1  }
0x1: {  	s0 =	srdreg.scid;
	s8 =	stileid.u32  }
0x2: {  	s11 =	rddreg [dreg:$0x0];
	s31 =	sand.u32 $0x1, s0;
	s26 =	sshll.u32 s8, $0x1  }
0x3: {  	s30 =	rddreg [dreg:$0x1];
	s1 =	sor.u32 s31, s26  }
0x4: {  	s2 =	rddreg [dreg:$0x2];
	s3 =	simm.s32 $0x0;
	s0 =	smul.u32 $0x90, s1  }
0x5: {  	[smem:$0x7FF] =	sst s3  }
0x6: {  	s4 =	sadd.s32 $0x41400, s11;
	_ =	strace $0x80000047;
	s0 =	sadd.s32 s0, s11  }
0x7: {  	[dreg:$0x4] =	wrdreg s4;
	s4 =	simm.s32 $0x2;
	s5 =	sadd.s32 $0x81400, s0  }
0x8: {  	[tilespmem:s3], [sflag:$0x2] =	stream.linear.gather [hbm4b:s5+s3], $0x480, $0x38;
	[tilespmem:$0x1AC80] =	vst v63  }
0x9: {  	_ =	swait.ge [sflag:s4], $0x480  }
0xa: {  	[sflag:s4] =	ssyncset.done $0x0  }
0xb: {  	s7 =	simm.s32 $0x12480;
	s6 =	sadd.s32 $0x42400, s11;
	[sflag:s4] =	ssyncadd.s32 $0xFFFFFB80  }
0xc: {  	[tilespmem:s7], [sflag:$0x2] =	stream.linear.gather [hbm4b:s6+s3], $0x800, $0x38;
	[tilespmem:$0x1AC80] =	vst v63  }
0xd: {  	s0 =	sshll.u32 s8, $0xF;
	s8 =	sshll.u32 s8, $0x6;
	_ =	swait.ge [sflag:s4], $0x800  }
0xe: {  	s9 =	sadd.s32 s0, s2;
	s8 =	sor.u32 $0x1C02, s8;
	[sflag:s4] =	ssyncset.done $0x0  }
0xf: {  	s9 =	sshrl.u32 s9, $0x3;
	s10 =	rddreg [dreg:$0x4];
	[sflag:s4] =	ssyncadd.s32 $0xFFFFF800  }
0x10: {  	[spmem:s9], [sflag:s8] =	dma.local [hbm:s10], $0x1000  }
0x11: {  	_ =	swait.ge [sflag:s4], $0x1000  }
0x12: {  	[sflag:s4] =	ssyncset.done $0x0  }
0x13: {  	s12 =	simm.s32 $0x480;
	[sflag:s4] =	ssyncadd.s32 $0xFFFFF000  }
0x14: {  	s10 =	sadd.s32 $0x1400, s11;
	s11 =	simm.s32 $0x80;
	[bflag:$0x0] =	sbarrier.arrive $0xFFFF  }
0x15: {  	[tilespmem:s12], [sflag:$0x1] =	stream.indirect.gather [hbm4b:s10+s11], $0x40, s3, s11, $0xb8;
	[tilespmem:$0x1AC80] =	vst v63  }
0x16: {  	s13 =	simm.s32 $0x2480  }
0x17: {  	[tilespmem:s13], [sflag:$0x1] =	stream.indirect.gather [hbm4b:s10+s11], $0x40, s11, s11, $0xb8;
	[tilespmem:$0x1AC80] =	vst v63  }
0x18: {  	s14 =	simm.s32 $0x100;
	s15 =	simm.s32 $0x4480  }
0x19: {  	[tilespmem:s15], [sflag:$0x1] =	stream.indirect.gather [hbm4b:s10+s11], $0x40, s14, s11, $0xb8;
	[tilespmem:$0x1AC80] =	vst v63  }
0x1a: {  	s16 =	simm.s32 $0x180;
	s17 =	simm.s32 $0x6480  }
0x1b: {  	[tilespmem:s17], [sflag:$0x1] =	stream.indirect.gather [hbm4b:s10+s11], $0x40, s16, s11, $0xb8;
	[tilespmem:$0x1AC80] =	vst v63  }
0x1c: {  	s18 =	simm.s32 $0x200;
	s19 =	simm.s32 $0x8480  }
0x1d: {  	[tilespmem:s19], [sflag:$0x1] =	stream.indirect.gather [hbm4b:s10+s11], $0x40, s18, s11, $0xb8;
	[tilespmem:$0x1AC80] =	vst v63  }
0x1e: {  	s20 =	simm.s32 $0x280;
	s21 =	simm.s32 $0xA480  }
0x1f: {  	[tilespmem:s21], [sflag:$0x1] =	stream.indirect.gather [hbm4b:s10+s11], $0x40, s20, s11, $0xb8;
	[tilespmem:$0x1AC80] =	vst v63  }
0x20: {  	s22 =	simm.s32 $0x300;
	s23 =	simm.s32 $0xC480  }
0x21: {  	[tilespmem:s23], [sflag:$0x1] =	stream.indirect.gather [hbm4b:s10+s11], $0x40, s22, s11, $0xb8;
	[tilespmem:$0x1AC80] =	vst v63  }
0x22: {  	s24 =	simm.s32 $0x380;
	s25 =	simm.s32 $0xE480  }
0x23: {  	[tilespmem:s25], [sflag:$0x1] =	stream.indirect.gather [hbm4b:s10+s11], $0x40, s24, s11, $0xb8;
	[tilespmem:$0x1AC80] =	vst v63  }
0x24: {  	s28 =	simm.s32 $0x10480;
	s26 =	simm.s32 $0x400  }
0x25: {  	[tilespmem:s28], [sflag:$0x1] =	stream.indirect.gather [hbm4b:s10+s11], $0x40, s26, s11, $0xb8;
	[tilespmem:$0x1AC80] =	vst v63  }
0x26: {  	_ = 	snop  }
0x27: {  	[spmem:s2] =	stream.indirect.scatter.add.f32 [tilespmem:s7], [sflag:$0x2], $0x10, s3, s11, $0xb8;
	[tilespmem:$0x1AC80] =	vst v63  }
0x28: {  	_ =	swait.ge [sflag:s4], $0x800  }
0x29: {  	[sflag:s4] =	ssyncset.done $0x0  }
0x2a: {  	[sflag:s4] =	ssyncadd.s32 $0xFFFFF800  }
0x2b: {  	[spmem:s2] =	stream.indirect.scatter.add.f32 [tilespmem:s7], [sflag:$0x2], $0x10, s11, s11, $0xb8;
	[tilespmem:$0x1AC80] =	vst v63  }
0x2c: {  	_ =	swait.ge [sflag:s4], $0x800  }
0x2d: {  	[sflag:s4] =	ssyncset.done $0x0  }
0x2e: {  	[sflag:s4] =	ssyncadd.s32 $0xFFFFF800  }
0x2f: {  	[spmem:s2] =	stream.indirect.scatter.add.f32 [tilespmem:s7], [sflag:$0x2], $0x10, s14, s11, $0xb8;
	[tilespmem:$0x1AC80] =	vst v63  }
0x30: {  	_ =	swait.ge [sflag:s4], $0x800  }
0x31: {  	[sflag:s4] =	ssyncset.done $0x0  }
0x32: {  	[sflag:s4] =	ssyncadd.s32 $0xFFFFF800  }
0x33: {  	[spmem:s2] =	stream.indirect.scatter.add.f32 [tilespmem:s7], [sflag:$0x2], $0x10, s16, s11, $0xb8;
	[tilespmem:$0x1AC80] =	vst v63  }
0x34: {  	_ =	swait.ge [sflag:s4], $0x800  }
0x35: {  	[sflag:s4] =	ssyncset.done $0x0  }
0x36: {  	[sflag:s4] =	ssyncadd.s32 $0xFFFFF800  }
0x37: {  	[spmem:s2] =	stream.indirect.scatter.add.f32 [tilespmem:s7], [sflag:$0x2], $0x10, s18, s11, $0xb8;
	[tilespmem:$0x1AC80] =	vst v63  }
0x38: {  	_ =	swait.ge [sflag:s4], $0x800  }
0x39: {  	[sflag:s4] =	ssyncset.done $0x0  }
0x3a: {  	[sflag:s4] =	ssyncadd.s32 $0xFFFFF800  }
0x3b: {  	[spmem:s2] =	stream.indirect.scatter.add.f32 [tilespmem:s7], [sflag:$0x2], $0x10, s20, s11, $0xb8;
	[tilespmem:$0x1AC80] =	vst v63  }
0x3c: {  	_ =	swait.ge [sflag:s4], $0x800  }
0x3d: {  	[sflag:s4] =	ssyncset.done $0x0  }
0x3e: {  	[sflag:s4] =	ssyncadd.s32 $0xFFFFF800  }
0x3f: {  	[spmem:s2] =	stream.indirect.scatter.add.f32 [tilespmem:s7], [sflag:$0x2], $0x10, s22, s11, $0xb8;
	[tilespmem:$0x1AC80] =	vst v63  }
0x40: {  	_ =	swait.ge [sflag:s4], $0x800  }
0x41: {  	[sflag:s4] =	ssyncset.done $0x0  }
0x42: {  	[sflag:s4] =	ssyncadd.s32 $0xFFFFF800  }
0x43: {  	[spmem:s2] =	stream.indirect.scatter.add.f32 [tilespmem:s7], [sflag:$0x2], $0x10, s24, s11, $0xb8;
	[tilespmem:$0x1AC80] =	vst v63  }
0x44: {  	_ =	swait.ge [sflag:s4], $0x800  }
0x45: {  	[sflag:s4] =	ssyncset.done $0x0  }
0x46: {  	[sflag:s4] =	ssyncadd.s32 $0xFFFFF800  }
0x47: {  	[spmem:s2] =	stream.indirect.scatter.add.f32 [tilespmem:s7], [sflag:$0x2], $0x10, s26, s11, $0xb8;
	[tilespmem:$0x1AC80] =	vst v63  }
0x48: {  	_ =	swait.ge [sflag:s4], $0x800  }
0x49: {  	[sflag:s4] =	ssyncset.done $0x0  }
0x4a: {  	s29 =	simm.s32 $0x1;
	[sflag:s4] =	ssyncadd.s32 $0xFFFFF800  }
0x4b: {  	_ =	swait.ge [sflag:s29], $0x2000  }
0x4c: {  	[sflag:s29] =	ssyncset.done $0x0  }
0x4d: {  	[sflag:s29] =	ssyncadd.s32 $0xFFFFE000  }
0x4e: {  	_ =	swait.ge [sflag:s29], $0x2000  }
0x4f: {  	[sflag:s29] =	ssyncset.done $0x0  }
0x50: {  	[sflag:s29] =	ssyncadd.s32 $0xFFFFE000  }
0x51: {  	_ =	swait.ge [sflag:s29], $0x2000  }
0x52: {  	[sflag:s29] =	ssyncset.done $0x0  }
0x53: {  	[sflag:s29] =	ssyncadd.s32 $0xFFFFE000  }
0x54: {  	_ =	swait.ge [sflag:s29], $0x2000  }
0x55: {  	[sflag:s29] =	ssyncset.done $0x0  }
0x56: {  	[sflag:s29] =	ssyncadd.s32 $0xFFFFE000  }
0x57: {  	_ =	swait.ge [sflag:s29], $0x2000  }
0x58: {  	[sflag:s29] =	ssyncset.done $0x0  }
0x59: {  	[sflag:s29] =	ssyncadd.s32 $0xFFFFE000  }
0x5a: {  	_ =	swait.ge [sflag:s29], $0x2000  }
0x5b: {  	[sflag:s29] =	ssyncset.done $0x0  }
0x5c: {  	[sflag:s29] =	ssyncadd.s32 $0xFFFFE000  }
0x5d: {  	_ =	swait.ge [sflag:s29], $0x2000  }
0x5e: {  	[sflag:s29] =	ssyncset.done $0x0  }
0x5f: {  	[sflag:s29] =	ssyncadd.s32 $0xFFFFE000  }
0x60: {  	_ =	swait.ge [sflag:s29], $0x2000  }
0x61: {  	s1 =	smul.u32 $0x2400, s1;
	[sflag:s29] =	ssyncset.done $0x0  }
0x62: {  	[sflag:s29] =	ssyncadd.s32 $0xFFFFE000  }
0x63: {  	s30 =	sadd.s32 s30, s1;
	s1 =	sshll.u32 s31, $0x13;
	_ =	swait.ge [sflag:s29], $0x2000  }
0x64: {  	s0 =	sor.u32 s0, s1;
	[sflag:s29] =	ssyncset.done $0x0  }
0x65: {  	s1 =	ssub.s32 $0x2, s31;
	s0 =	sshrl.u32 s0, $0x3;
	[sflag:s29] =	ssyncadd.s32 $0xFFFFE000  }
0x66: {  	[hbm4b:s30+s3] =	stream.linear.scatter [tilespmem:s12], [sflag:$0x2], $0x12000, $0x38;
	[tilespmem:$0x1AC80] =	vst v63  }
0x67: {  	_ =	swait.ge [sflag:s4], $0x12000;
	[dreg:$0x5] =	wrdreg s0;
	s0 =	sshrl.u32 s1, $0x1  }
0x68: {  	[dreg:$0x6] =	wrdreg s0  }
0x69: {  	[sflag:s4] =	ssyncset.done $0x0;
	s31 =	rddreg [dreg:$0x5]  }
0x6a: {  	s0 =	rddreg [dreg:$0x0]  }
0x6b: {  	s0 =	sadd.s32 s31, s0;
	s31 =	rddreg [dreg:$0x6]  }
0x6c: {  	s1 =	ssub.s32 s1, s31  }
0x6d: {  	s1 =	smax.u32 s1, $0x1  }
0x6e: {  	p0 =	sne.s32 s1, $0x1  }
.Ltmp0:
0x6f: {  	[sflag:s4] =	ssyncadd.s32 $0xFFFEE000;
	(pc) =	sbr.rel @!p0 .LBB2_2-.Ltmp0, $4  }
0x70: {  	[bflag:$0x0] =	sbarrier.arrive $0xFFFF;
	s31 =	sadd.s32 $0x42600, s0  }
0x71: {  	[hbm:s31], [sflag:s8] =	dma.local [spmem:s9], $0x1000  }
0x72: {  	_ =	swait.ge [sflag:s4], $0x1000  }
0x73: {  	s1 =	sadd.s32 $0xFFFFFFFF, s1;
	[sflag:s4] =	ssyncset.done $0x0  }
.LBB2_1:
0x74: {  	[sflag:s4] =	ssyncadd.s32 $0xFFFFF000  }
0x75: {  	[tilespmem:s3], [sflag:$0x2] =	stream.linear.gather [hbm4b:s5+s3], $0x480, $0x38;
	[tilespmem:$0x1AC80] =	vst v63  }
0x76: {  	_ =	swait.ge [sflag:s4], $0x480  }
0x77: {  	[sflag:s4] =	ssyncset.done $0x0  }
0x78: {  	[sflag:s4] =	ssyncadd.s32 $0xFFFFFB80  }
0x79: {  	[tilespmem:s7], [sflag:$0x2] =	stream.linear.gather [hbm4b:s6+s3], $0x800, $0x38;
	[tilespmem:$0x1AC80] =	vst v63  }
0x7a: {  	_ =	swait.ge [sflag:s4], $0x800  }
0x7b: {  	[sflag:s4] =	ssyncset.done $0x0  }
0x7c: {  	s0 =	rddreg [dreg:$0x4];
	[sflag:s4] =	ssyncadd.s32 $0xFFFFF800  }
0x7d: {  	[spmem:s9], [sflag:s8] =	dma.local [hbm:s0], $0x1000  }
0x7e: {  	_ =	swait.ge [sflag:s4], $0x1000  }
0x7f: {  	[sflag:s4] =	ssyncset.done $0x0  }
0x80: {  	[sflag:s4] =	ssyncadd.s32 $0xFFFFF000  }
0x81: {  	[bflag:$0x0] =	sbarrier.arrive $0xFFFF  }
0x82: {  	[tilespmem:s12], [sflag:$0x1] =	stream.indirect.gather [hbm4b:s10+s11], $0x40, s3, s11, $0xb8;
	[tilespmem:$0x1AC80] =	vst v63  }
0x83: {  	_ = 	snop  }
0x84: {  	[tilespmem:s13], [sflag:$0x1] =	stream.indirect.gather [hbm4b:s10+s11], $0x40, s11, s11, $0xb8;
	[tilespmem:$0x1AC80] =	vst v63  }
0x85: {  	_ = 	snop  }
0x86: {  	[tilespmem:s15], [sflag:$0x1] =	stream.indirect.gather [hbm4b:s10+s11], $0x40, s14, s11, $0xb8;
	[tilespmem:$0x1AC80] =	vst v63  }
0x87: {  	_ = 	snop  }
0x88: {  	[tilespmem:s17], [sflag:$0x1] =	stream.indirect.gather [hbm4b:s10+s11], $0x40, s16, s11, $0xb8;
	[tilespmem:$0x1AC80] =	vst v63  }
0x89: {  	_ = 	snop  }
0x8a: {  	[tilespmem:s19], [sflag:$0x1] =	stream.indirect.gather [hbm4b:s10+s11], $0x40, s18, s11, $0xb8;
	[tilespmem:$0x1AC80] =	vst v63  }
0x8b: {  	_ = 	snop  }
0x8c: {  	[tilespmem:s21], [sflag:$0x1] =	stream.indirect.gather [hbm4b:s10+s11], $0x40, s20, s11, $0xb8;
	[tilespmem:$0x1AC80] =	vst v63  }
0x8d: {  	_ = 	snop  }
0x8e: {  	[tilespmem:s23], [sflag:$0x1] =	stream.indirect.gather [hbm4b:s10+s11], $0x40, s22, s11, $0xb8;
	[tilespmem:$0x1AC80] =	vst v63  }
0x8f: {  	_ = 	snop  }
0x90: {  	[tilespmem:s25], [sflag:$0x1] =	stream.indirect.gather [hbm4b:s10+s11], $0x40, s24, s11, $0xb8;
	[tilespmem:$0x1AC80] =	vst v63  }
0x91: {  	_ = 	snop  }
0x92: {  	[tilespmem:s28], [sflag:$0x1] =	stream.indirect.gather [hbm4b:s10+s11], $0x40, s26, s11, $0xb8;
	[tilespmem:$0x1AC80] =	vst v63  }
0x93: {  	_ = 	snop  }
0x94: {  	[spmem:s2] =	stream.indirect.scatter.add.f32 [tilespmem:s7], [sflag:$0x2], $0x10, s3, s11, $0xb8;
	[tilespmem:$0x1AC80] =	vst v63  }
0x95: {  	_ =	swait.ge [sflag:s4], $0x800  }
0x96: {  	[sflag:s4] =	ssyncset.done $0x0  }
0x97: {  	[sflag:s4] =	ssyncadd.s32 $0xFFFFF800  }
0x98: {  	[spmem:s2] =	stream.indirect.scatter.add.f32 [tilespmem:s7], [sflag:$0x2], $0x10, s11, s11, $0xb8;
	[tilespmem:$0x1AC80] =	vst v63  }
0x99: {  	_ =	swait.ge [sflag:s4], $0x800  }
0x9a: {  	[sflag:s4] =	ssyncset.done $0x0  }
0x9b: {  	[sflag:s4] =	ssyncadd.s32 $0xFFFFF800  }
0x9c: {  	[spmem:s2] =	stream.indirect.scatter.add.f32 [tilespmem:s7], [sflag:$0x2], $0x10, s14, s11, $0xb8;
	[tilespmem:$0x1AC80] =	vst v63  }
0x9d: {  	_ =	swait.ge [sflag:s4], $0x800  }
0x9e: {  	[sflag:s4] =	ssyncset.done $0x0  }
0x9f: {  	[sflag:s4] =	ssyncadd.s32 $0xFFFFF800  }
0xa0: {  	[spmem:s2] =	stream.indirect.scatter.add.f32 [tilespmem:s7], [sflag:$0x2], $0x10, s16, s11, $0xb8;
	[tilespmem:$0x1AC80] =	vst v63  }
0xa1: {  	_ =	swait.ge [sflag:s4], $0x800  }
0xa2: {  	[sflag:s4] =	ssyncset.done $0x0  }
0xa3: {  	[sflag:s4] =	ssyncadd.s32 $0xFFFFF800  }
0xa4: {  	[spmem:s2] =	stream.indirect.scatter.add.f32 [tilespmem:s7], [sflag:$0x2], $0x10, s18, s11, $0xb8;
	[tilespmem:$0x1AC80] =	vst v63  }
0xa5: {  	_ =	swait.ge [sflag:s4], $0x800  }
0xa6: {  	[sflag:s4] =	ssyncset.done $0x0  }
0xa7: {  	[sflag:s4] =	ssyncadd.s32 $0xFFFFF800  }
0xa8: {  	[spmem:s2] =	stream.indirect.scatter.add.f32 [tilespmem:s7], [sflag:$0x2], $0x10, s20, s11, $0xb8;
	[tilespmem:$0x1AC80] =	vst v63  }
0xa9: {  	_ =	swait.ge [sflag:s4], $0x800  }
0xaa: {  	[sflag:s4] =	ssyncset.done $0x0  }
0xab: {  	[sflag:s4] =	ssyncadd.s32 $0xFFFFF800  }
0xac: {  	[spmem:s2] =	stream.indirect.scatter.add.f32 [tilespmem:s7], [sflag:$0x2], $0x10, s22, s11, $0xb8;
	[tilespmem:$0x1AC80] =	vst v63  }
0xad: {  	_ =	swait.ge [sflag:s4], $0x800  }
0xae: {  	[sflag:s4] =	ssyncset.done $0x0  }
0xaf: {  	[sflag:s4] =	ssyncadd.s32 $0xFFFFF800  }
0xb0: {  	[spmem:s2] =	stream.indirect.scatter.add.f32 [tilespmem:s7], [sflag:$0x2], $0x10, s24, s11, $0xb8;
	[tilespmem:$0x1AC80] =	vst v63  }
0xb1: {  	_ =	swait.ge [sflag:s4], $0x800  }
0xb2: {  	[sflag:s4] =	ssyncset.done $0x0  }
0xb3: {  	[sflag:s4] =	ssyncadd.s32 $0xFFFFF800  }
0xb4: {  	[spmem:s2] =	stream.indirect.scatter.add.f32 [tilespmem:s7], [sflag:$0x2], $0x10, s26, s11, $0xb8;
	[tilespmem:$0x1AC80] =	vst v63  }
0xb5: {  	_ =	swait.ge [sflag:s4], $0x800  }
0xb6: {  	[sflag:s4] =	ssyncset.done $0x0  }
0xb7: {  	[sflag:s4] =	ssyncadd.s32 $0xFFFFF800  }
0xb8: {  	_ =	swait.ge [sflag:s29], $0x2000  }
0xb9: {  	[sflag:s29] =	ssyncset.done $0x0  }
0xba: {  	[sflag:s29] =	ssyncadd.s32 $0xFFFFE000  }
0xbb: {  	_ =	swait.ge [sflag:s29], $0x2000  }
0xbc: {  	[sflag:s29] =	ssyncset.done $0x0  }
0xbd: {  	[sflag:s29] =	ssyncadd.s32 $0xFFFFE000  }
0xbe: {  	_ =	swait.ge [sflag:s29], $0x2000  }
0xbf: {  	[sflag:s29] =	ssyncset.done $0x0  }
0xc0: {  	[sflag:s29] =	ssyncadd.s32 $0xFFFFE000  }
0xc1: {  	_ =	swait.ge [sflag:s29], $0x2000  }
0xc2: {  	[sflag:s29] =	ssyncset.done $0x0  }
0xc3: {  	[sflag:s29] =	ssyncadd.s32 $0xFFFFE000  }
0xc4: {  	_ =	swait.ge [sflag:s29], $0x2000  }
0xc5: {  	[sflag:s29] =	ssyncset.done $0x0  }
0xc6: {  	[sflag:s29] =	ssyncadd.s32 $0xFFFFE000  }
0xc7: {  	_ =	swait.ge [sflag:s29], $0x2000  }
0xc8: {  	[sflag:s29] =	ssyncset.done $0x0  }
0xc9: {  	[sflag:s29] =	ssyncadd.s32 $0xFFFFE000  }
0xca: {  	_ =	swait.ge [sflag:s29], $0x2000  }
0xcb: {  	[sflag:s29] =	ssyncset.done $0x0  }
0xcc: {  	[sflag:s29] =	ssyncadd.s32 $0xFFFFE000  }
0xcd: {  	_ =	swait.ge [sflag:s29], $0x2000  }
0xce: {  	[sflag:s29] =	ssyncset.done $0x0  }
0xcf: {  	[sflag:s29] =	ssyncadd.s32 $0xFFFFE000  }
0xd0: {  	_ =	swait.ge [sflag:s29], $0x2000  }
0xd1: {  	[sflag:s29] =	ssyncset.done $0x0  }
0xd2: {  	[sflag:s29] =	ssyncadd.s32 $0xFFFFE000  }
0xd3: {  	[hbm4b:s30+s3] =	stream.linear.scatter [tilespmem:s12], [sflag:$0x2], $0x12000, $0x38;
	[tilespmem:$0x1AC80] =	vst v63  }
0xd4: {  	_ =	swait.ge [sflag:s4], $0x12000  }
0xd5: {  	p0 =	sne.s32 s1, $0x1;
	[sflag:s4] =	ssyncset.done $0x0  }
.Ltmp1:
0xd6: {  	[sflag:s4] =	ssyncadd.s32 $0xFFFEE000;
	(pc) =	sbr.rel @p0 .LBB2_1-.Ltmp1, $4  }
0xd7: {  	[bflag:$0x0] =	sbarrier.arrive $0xFFFF  }
0xd8: {  	[hbm:s31], [sflag:s8] =	dma.local [spmem:s9], $0x1000  }
0xd9: {  	_ =	swait.ge [sflag:s4], $0x1000  }
0xda: {  	s1 =	sadd.s32 $0xFFFFFFFF, s1;
	[sflag:s4] =	ssyncset.done $0x0  }
.LBB2_2:
0xdb: {  	[sflag:s4] =	ssyncadd.s32 $0xFFFFF000  }
0xdc: {  	_ =	sfence.sel $0x180000  }
0xdd: {  	[bflag:$0x0] =	sbarrier.arrive $0xFFFF  }
0xde: {  	_ =	strace $0x90000047  }
0xdf: {  	s0 =	stileid.u32;
	[bflag:$0x2] =	sbarrier.arrive $0xFFFF  }
0xe0: {  	p0 =	sne.s32 s0, $0x0;
	s0 =	rddreg [dreg:$0x3]  }
0xe1: {  	s0 =	sadd.s32 @!p0 $0x100000, s0  }
0xe2: {  	[sflag:s0] =	ssyncadd.tile.s32 @!p0 $0x1;
	_ =	shalt  }
.Lfunc_end2:
_tile_overlayer_lowered:
.L_overlay_start_2:
0xe3: {  	(tag) =	ssettag $0x2  }
0xe4: {  	s0 =	rddreg [dreg:$0x0];
	s2 =	stileid.u32  }
0xe5: {  	s1 =	rddreg [dreg:$0x1];
	p0 =	sne.s32 s2, $0x0  }
0xe6: {  	s3 =	rddreg [dreg:$0x2];
	[bflag:$0x3] =	sbarrier.arrive $0xFFFF;
	s2 =	simm.s32 @!p0 $0x1C02  }
0xe7: {  	[timem:s3], [sflag:s2] =	dma.local @!p0 [hbm:s0], s1  }
0xe8: {  	s0 =	simm.s32 @!p0 $0x2  }
0xe9: {  	_ =	swait.ge @!p0 [sflag:s0], s1  }
0xea: {  	s1 =	ssub.s32 @!p0 $0x0, s1;
	[sflag:s0] =	ssyncset.done @!p0 $0x0  }
0xeb: {  	[sflag:s0] =	ssyncadd.s32 @!p0 s1  }
0xec: {  	[bflag:$0x3] =	sbarrier.arrive $0xFFFF  }
0xed: {  	_ =	shalt  }

</sc_bundles>
